<compile_context>
chip_gen: v7x
topology: tpu7x:2x2x1
jax: 0.10.2.dev20260603
libtpu: 0.0.44.dev20260713+nightly
codegen_flags: <defaults>
</compile_context>

<pallas_src>
import dataclasses
import functools

import jax
import jax.numpy as jnp
from jax import lax
from jax.experimental import pallas as pl
from jax.experimental.pallas import tpu as pltpu
from jax.experimental.pallas import tpu_sc as plsc

B = 64
S = 200
P = 128
NC = 2
NS = 16
NW = NC * NS
ROWS_PER_W = B // NW
L = 16
CHUNKS = ((0, 32), (32, 96), (128, 72))


def _sc_forward(X, table, W, bias):
    mesh = plsc.VectorSubcoreMesh(core_axis_name="c", subcore_axis_name="s")
    SW = S * ROWS_PER_W

    cp = pltpu.CompilerParams()
    if "needs_layout_passes" in pltpu.CompilerParams.__dataclass_fields__:
        cp = dataclasses.replace(cp, needs_layout_passes=False)

    @functools.partial(
        pl.kernel,
        mesh=mesh,
        compiler_params=cp,
        out_type=jax.ShapeDtypeStruct((B, L), jnp.float32),
        scratch_types=[
            pltpu.VMEM((SW,), jnp.int32),
            pltpu.VMEM((SW, P), jnp.float32),
            pltpu.VMEM((P,), jnp.float32),
            pltpu.VMEM((L,), jnp.float32),
            pltpu.VMEM((ROWS_PER_W, L), jnp.float32),
            pltpu.SemaphoreType.DMA,
            pltpu.SemaphoreType.DMA,
            pltpu.SemaphoreType.DMA,
        ],
    )
    def k(x_hbm, table_hbm, w_hbm, b_hbm, out_hbm,
          idx_v, rows_v, w_v, b_v, o_v, sem0, sem1, semw):
        wid = lax.axis_index("s") * NC + lax.axis_index("c")
        cw = pltpu.async_copy(w_hbm, w_v, semw)
        cb = pltpu.async_copy(b_hbm, b_v, semw)
        sems = (sem0, sem1)
        idx_copies = [
            pltpu.async_copy(
                x_hbm.at[pl.ds(wid * SW + j * S, S)],
                idx_v.at[pl.ds(j * S, S)],
                sems[j],
            )
            for j in range(ROWS_PER_W)
        ]
        copies = []
        for j in range(ROWS_PER_W):
            idx_copies[j].wait()
            for off, n in CHUNKS:
                copies.append(
                    pltpu.async_copy(
                        table_hbm.at[idx_v.at[pl.ds(j * S + off, n)]],
                        rows_v.at[pl.ds(j * S + off, n)],
                        sems[j],
                    )
                )
        cw.wait()
        cb.wait()
        for j in range(ROWS_PER_W):
            zero = jnp.zeros((L,), jnp.float32)
            acc = (zero,) * (P // L)
            for c_idx, (off, n) in enumerate(CHUNKS):
                copies[j * len(CHUNKS) + c_idx].wait()

                def body(r, a, base=j * S):
                    return tuple(
                        a[c] + rows_v[base + r, pl.ds(c * L, L)]
                        for c in range(P // L)
                    )

                acc = plsc.parallel_loop(
                    off, off + n, unroll=4, carry=acc
                )(body)
            part = zero
            for c in range(P // L):
                part = part + acc[c] * w_v[pl.ds(c * L, L)]
            z = jnp.sum(part) * (1.0 / S)
            zv = jnp.broadcast_to(z, (L,)) + b_v[...]
            o_v[j, :] = 1.0 / (1.0 + jnp.exp(-zv))
        pltpu.sync_copy(o_v, out_hbm.at[pl.ds(wid * ROWS_PER_W, ROWS_PER_W)])

    return k(X.reshape(-1), table, W.reshape(P), jnp.broadcast_to(bias, (L,)))


def kernel(X, table, W, b):
    out = _sc_forward(X, table, W, b)
    return out[:, 0]

# --- scband reference (transcript-rebuilt; emitter-appended) ---
"""Pipeline reference for scband-ber-tii-50251117363580 (READ-ONLY COPY).

The authoritative reference and input builder live on the scoring server;
editing this copy changes nothing except your own understanding.
"""

import jax, jax.numpy as jnp
import numpy as np

VOCAB = 200000
P = 128
BATCH = 64
SEQ = 200

def setup_inputs(seed: int = 0) -> dict:
    key = jax.random.key(seed)
    k1, k2, k3, k4 = jax.random.split(key, 4)
    X = jax.random.randint(k1, (BATCH, SEQ), 0, VOCAB, dtype=jnp.int64 if jax.config.jax_enable_x64 else jnp.int32).astype(jnp.int32)
    table = jax.random.normal(k2, (VOCAB, P), dtype=jnp.float32)
    W = jax.random.normal(k3, (1, P), dtype=jnp.float32) * (1.0 / np.sqrt(P))
    b = jax.random.normal(k4, (1,), dtype=jnp.float32) * 0.01
    return {"X": X, "table": table, "W": W, "b": b}

def reference(X, table, W, b):
    # embedding lookup (gather)
    emb = jnp.take(table, X, axis=0)            # [B, S, P]
    # to_padded_tensor is identity for dense inputs; mean over sequence dim
    pooled = jnp.mean(emb, axis=1)              # [B, P]
    logits = pooled @ W.T + b                   # [B, 1]
    out = jax.nn.sigmoid(logits)
    return out.reshape(BATCH)

if __name__ == "__main__":
    import jax
    _d = setup_inputs()
    print(jax.jit(kernel)(*tuple(_d.values())))

</pallas_src>

<mosaic_0001>
#map = affine_map<(d0, d1) -> (0)>
#map1 = affine_map<(d0, d1) -> (0, 0)>
module attributes {stable_mosaic.version = 14 : i64} {
  func.func @k(%arg0: i32, %arg1: i32, %arg2: memref<12800xi32, #tpu.memory_space<hbm>>, %arg3: memref<200000x128xf32, #tpu.memory_space<hbm>>, %arg4: memref<128xf32, #tpu.memory_space<hbm>>, %arg5: memref<16xf32, #tpu.memory_space<hbm>>, %arg6: memref<64x16xf32, #tpu.memory_space<hbm>>, %arg7: memref<400xi32, #tpu.memory_space<vmem>>, %arg8: memref<400x128xf32, #tpu.memory_space<vmem>>, %arg9: memref<128xf32, #tpu.memory_space<vmem>>, %arg10: memref<16xf32, #tpu.memory_space<vmem>>, %arg11: memref<2x16xf32, #tpu.memory_space<vmem>>, %arg12: memref<!tpu.dma_semaphore, #tpu.memory_space<semaphore_mem>>, %arg13: memref<!tpu.dma_semaphore, #tpu.memory_space<semaphore_mem>>, %arg14: memref<!tpu.dma_semaphore, #tpu.memory_space<semaphore_mem>>) attributes {dimension_semantics = [#tpu.dimension_semantics<core_parallel>, #tpu.dimension_semantics<subcore_parallel>], iteration_bounds = array<i64: 2, 16>, scalar_prefetch = 0 : i64, scratch_operands = 8 : i64, tpu.core_type = #tpu.core_type<sc_vector_subcore>, window_params = [{transform_indices = #map}, {transform_indices = #map1}, {transform_indices = #map}, {transform_indices = #map}, {transform_indices = #map1}]} {
    %mul3A = arith.constant 2 : i32
    %mul3A_0 = arith.muli %arg1, %mul3A : i32
    %add3A = arith.addi %mul3A_0, %arg0 : i32
    tpu.enqueue_dma source(%arg4 : memref<128xf32, #tpu.memory_space<hbm>>) target(%arg9 : memref<128xf32, #tpu.memory_space<vmem>>) target_semaphore(%arg14 : memref<!tpu.dma_semaphore, #tpu.memory_space<semaphore_mem>>)
    tpu.enqueue_dma source(%arg5 : memref<16xf32, #tpu.memory_space<hbm>>) target(%arg10 : memref<16xf32, #tpu.memory_space<vmem>>) target_semaphore(%arg14 : memref<!tpu.dma_semaphore, #tpu.memory_space<semaphore_mem>>)
    %mul3A_1 = arith.constant 400 : i32
    %mul3A_2 = arith.muli %add3A, %mul3A_1 : i32
    %add3A_3 = arith.constant 0 : i32
    %add3A_4 = arith.addi %mul3A_2, %add3A_3 : i32
    %dma_start3A = arith.constant 0 : i32
    %dma_start3A_5 = tpu.memref_slice %arg7[%dma_start3A] : memref<400xi32, #tpu.memory_space<vmem>> -> memref<200xi32, #tpu.memory_space<vmem>>
    %dma_start3A_6 = tpu.memref_slice %arg2[%add3A_4] : memref<12800xi32, #tpu.memory_space<hbm>> -> memref<200xi32, #tpu.memory_space<hbm>>
    %dma_start3A_7 = arith.constant 0 : i32
    %dma_start3A_8 = tpu.memref_slice %arg7[%dma_start3A_7] : memref<400xi32, #tpu.memory_space<vmem>> -> memref<200xi32, #tpu.memory_space<vmem>>
    %dma_start3A_9 = tpu.memref_slice %arg2[%add3A_4] : memref<12800xi32, #tpu.memory_space<hbm>> -> memref<200xi32, #tpu.memory_space<hbm>>
    tpu.enqueue_dma source(%dma_start3A_9 : memref<200xi32, #tpu.memory_space<hbm>>) target(%dma_start3A_8 : memref<200xi32, #tpu.memory_space<vmem>>) target_semaphore(%arg12 : memref<!tpu.dma_semaphore, #tpu.memory_space<semaphore_mem>>)
    %mul3A_10 = arith.constant 400 : i32
    %mul3A_11 = arith.muli %add3A, %mul3A_10 : i32
    %add3A_12 = arith.constant 200 : i32
    %add3A_13 = arith.addi %mul3A_11, %add3A_12 : i32
    %dma_start3A_14 = arith.constant 200 : i32
    %dma_start3A_15 = tpu.memref_slice %arg7[%dma_start3A_14] : memref<400xi32, #tpu.memory_space<vmem>> -> memref<200xi32, #tpu.memory_space<vmem>>
    %dma_start3A_16 = tpu.memref_slice %arg2[%add3A_13] : memref<12800xi32, #tpu.memory_space<hbm>> -> memref<200xi32, #tpu.memory_space<hbm>>
    %dma_start3A_17 = arith.constant 200 : i32
    %dma_start3A_18 = tpu.memref_slice %arg7[%dma_start3A_17] : memref<400xi32, #tpu.memory_space<vmem>> -> memref<200xi32, #tpu.memory_space<vmem>>
    %dma_start3A_19 = tpu.memref_slice %arg2[%add3A_13] : memref<12800xi32, #tpu.memory_space<hbm>> -> memref<200xi32, #tpu.memory_space<hbm>>
    tpu.enqueue_dma source(%dma_start3A_19 : memref<200xi32, #tpu.memory_space<hbm>>) target(%dma_start3A_18 : memref<200xi32, #tpu.memory_space<vmem>>) target_semaphore(%arg13 : memref<!tpu.dma_semaphore, #tpu.memory_space<semaphore_mem>>)
    %dma_wait3A = arith.constant 0 : i32
    %dma_wait3A_20 = tpu.memref_slice %arg7[%dma_wait3A] : memref<400xi32, #tpu.memory_space<vmem>> -> memref<200xi32, #tpu.memory_space<vmem>>
    %dma_wait3A_21 = tpu.memref_slice %arg2[%add3A_4] : memref<12800xi32, #tpu.memory_space<hbm>> -> memref<200xi32, #tpu.memory_space<hbm>>
    %dma_wait3A_22 = arith.constant 0 : i32
    %dma_wait3A_23 = tpu.memref_slice %arg7[%dma_wait3A_22] : memref<400xi32, #tpu.memory_space<vmem>> -> memref<200xi32, #tpu.memory_space<vmem>>
    %dma_wait3A_24 = tpu.memref_slice %arg2[%add3A_4] : memref<12800xi32, #tpu.memory_space<hbm>> -> memref<200xi32, #tpu.memory_space<hbm>>
    tpu.wait_dma2 semaphore(%arg12 : memref<!tpu.dma_semaphore, #tpu.memory_space<semaphore_mem>>) src(%dma_wait3A_24 : memref<200xi32, #tpu.memory_space<hbm>>) dst(%dma_wait3A_23 : memref<200xi32, #tpu.memory_space<vmem>>)
    %dma_start3A_25 = arith.constant 0 : i32
    %dma_start3A_26 = arith.constant 0 : i32
    %dma_start3A_27 = tpu.memref_slice %arg8[%dma_start3A_25, %dma_start3A_26] : memref<400x128xf32, #tpu.memory_space<vmem>> -> memref<32x128xf32, #tpu.memory_space<vmem>>
    %dma_start3A_28 = arith.constant 0 : i32
    %dma_start3A_29 = tpu.memref_slice %arg7[%dma_start3A_28] : memref<400xi32, #tpu.memory_space<vmem>> -> memref<32xi32, #tpu.memory_space<vmem>>
    %dma_start3A_30 = arith.constant 0 : i32
    %dma_start3A_31 = arith.constant 0 : i32
    %dma_start3A_32 = tpu.memref_slice %arg3[%dma_start3A_30, %dma_start3A_31] : memref<200000x128xf32, #tpu.memory_space<hbm>> -> memref<200000x128xf32, #tpu.memory_space<hbm>>
    tpu.enqueue_indirect_dma source(%dma_start3A_32 : memref<200000x128xf32, #tpu.memory_space<hbm>>) target(%dma_start3A_27 : memref<32x128xf32, #tpu.memory_space<vmem>>) offsets(%dma_start3A_29 : memref<32xi32, #tpu.memory_space<vmem>>) semaphore(%arg12 : memref<!tpu.dma_semaphore, #tpu.memory_space<semaphore_mem>>)
    %dma_start3A_33 = arith.constant 32 : i32
    %dma_start3A_34 = arith.constant 0 : i32
    %dma_start3A_35 = tpu.memref_slice %arg8[%dma_start3A_33, %dma_start3A_34] : memref<400x128xf32, #tpu.memory_space<vmem>> -> memref<96x128xf32, #tpu.memory_space<vmem>>
    %dma_start3A_36 = arith.constant 32 : i32
    %dma_start3A_37 = tpu.memref_slice %arg7[%dma_start3A_36] : memref<400xi32, #tpu.memory_space<vmem>> -> memref<96xi32, #tpu.memory_space<vmem>>
    %dma_start3A_38 = arith.constant 0 : i32
    %dma_start3A_39 = arith.constant 0 : i32
    %dma_start3A_40 = tpu.memref_slice %arg3[%dma_start3A_38, %dma_start3A_39] : memref<200000x128xf32, #tpu.memory_space<hbm>> -> memref<200000x128xf32, #tpu.memory_space<hbm>>
    tpu.enqueue_indirect_dma source(%dma_start3A_40 : memref<200000x128xf32, #tpu.memory_space<hbm>>) target(%dma_start3A_35 : memref<96x128xf32, #tpu.memory_space<vmem>>) offsets(%dma_start3A_37 : memref<96xi32, #tpu.memory_space<vmem>>) semaphore(%arg12 : memref<!tpu.dma_semaphore, #tpu.memory_space<semaphore_mem>>)
    %dma_start3A_41 = arith.constant 128 : i32
    %dma_start3A_42 = arith.constant 0 : i32
    %dma_start3A_43 = tpu.memref_slice %arg8[%dma_start3A_41, %dma_start3A_42] : memref<400x128xf32, #tpu.memory_space<vmem>> -> memref<72x128xf32, #tpu.memory_space<vmem>>
    %dma_start3A_44 = arith.constant 128 : i32
    %dma_start3A_45 = tpu.memref_slice %arg7[%dma_start3A_44] : memref<400xi32, #tpu.memory_space<vmem>> -> memref<72xi32, #tpu.memory_space<vmem>>
    %dma_start3A_46 = arith.constant 0 : i32
    %dma_start3A_47 = arith.constant 0 : i32
    %dma_start3A_48 = tpu.memref_slice %arg3[%dma_start3A_46, %dma_start3A_47] : memref<200000x128xf32, #tpu.memory_space<hbm>> -> memref<200000x128xf32, #tpu.memory_space<hbm>>
    tpu.enqueue_indirect_dma source(%dma_start3A_48 : memref<200000x128xf32, #tpu.memory_space<hbm>>) target(%dma_start3A_43 : memref<72x128xf32, #tpu.memory_space<vmem>>) offsets(%dma_start3A_45 : memref<72xi32, #tpu.memory_space<vmem>>) semaphore(%arg12 : memref<!tpu.dma_semaphore, #tpu.memory_space<semaphore_mem>>)
    %dma_wait3A_49 = arith.constant 200 : i32
    %dma_wait3A_50 = tpu.memref_slice %arg7[%dma_wait3A_49] : memref<400xi32, #tpu.memory_space<vmem>> -> memref<200xi32, #tpu.memory_space<vmem>>
    %dma_wait3A_51 = tpu.memref_slice %arg2[%add3A_13] : memref<12800xi32, #tpu.memory_space<hbm>> -> memref<200xi32, #tpu.memory_space<hbm>>
    %dma_wait3A_52 = arith.constant 200 : i32
    %dma_wait3A_53 = tpu.memref_slice %arg7[%dma_wait3A_52] : memref<400xi32, #tpu.memory_space<vmem>> -> memref<200xi32, #tpu.memory_space<vmem>>
    %dma_wait3A_54 = tpu.memref_slice %arg2[%add3A_13] : memref<12800xi32, #tpu.memory_space<hbm>> -> memref<200xi32, #tpu.memory_space<hbm>>
    tpu.wait_dma2 semaphore(%arg13 : memref<!tpu.dma_semaphore, #tpu.memory_space<semaphore_mem>>) src(%dma_wait3A_54 : memref<200xi32, #tpu.memory_space<hbm>>) dst(%dma_wait3A_53 : memref<200xi32, #tpu.memory_space<vmem>>)
    %dma_start3A_55 = arith.constant 200 : i32
    %dma_start3A_56 = arith.constant 0 : i32
    %dma_start3A_57 = tpu.memref_slice %arg8[%dma_start3A_55, %dma_start3A_56] : memref<400x128xf32, #tpu.memory_space<vmem>> -> memref<32x128xf32, #tpu.memory_space<vmem>>
    %dma_start3A_58 = arith.constant 200 : i32
    %dma_start3A_59 = tpu.memref_slice %arg7[%dma_start3A_58] : memref<400xi32, #tpu.memory_space<vmem>> -> memref<32xi32, #tpu.memory_space<vmem>>
    %dma_start3A_60 = arith.constant 0 : i32
    %dma_start3A_61 = arith.constant 0 : i32
    %dma_start3A_62 = tpu.memref_slice %arg3[%dma_start3A_60, %dma_start3A_61] : memref<200000x128xf32, #tpu.memory_space<hbm>> -> memref<200000x128xf32, #tpu.memory_space<hbm>>
    tpu.enqueue_indirect_dma source(%dma_start3A_62 : memref<200000x128xf32, #tpu.memory_space<hbm>>) target(%dma_start3A_57 : memref<32x128xf32, #tpu.memory_space<vmem>>) offsets(%dma_start3A_59 : memref<32xi32, #tpu.memory_space<vmem>>) semaphore(%arg13 : memref<!tpu.dma_semaphore, #tpu.memory_space<semaphore_mem>>)
    %dma_start3A_63 = arith.constant 232 : i32
    %dma_start3A_64 = arith.constant 0 : i32
    %dma_start3A_65 = tpu.memref_slice %arg8[%dma_start3A_63, %dma_start3A_64] : memref<400x128xf32, #tpu.memory_space<vmem>> -> memref<96x128xf32, #tpu.memory_space<vmem>>
    %dma_start3A_66 = arith.constant 232 : i32
    %dma_start3A_67 = tpu.memref_slice %arg7[%dma_start3A_66] : memref<400xi32, #tpu.memory_space<vmem>> -> memref<96xi32, #tpu.memory_space<vmem>>
    %dma_start3A_68 = arith.constant 0 : i32
    %dma_start3A_69 = arith.constant 0 : i32
    %dma_start3A_70 = tpu.memref_slice %arg3[%dma_start3A_68, %dma_start3A_69] : memref<200000x128xf32, #tpu.memory_space<hbm>> -> memref<200000x128xf32, #tpu.memory_space<hbm>>
    tpu.enqueue_indirect_dma source(%dma_start3A_70 : memref<200000x128xf32, #tpu.memory_space<hbm>>) target(%dma_start3A_65 : memref<96x128xf32, #tpu.memory_space<vmem>>) offsets(%dma_start3A_67 : memref<96xi32, #tpu.memory_space<vmem>>) semaphore(%arg13 : memref<!tpu.dma_semaphore, #tpu.memory_space<semaphore_mem>>)
    %dma_start3A_71 = arith.constant 328 : i32
    %dma_start3A_72 = arith.constant 0 : i32
    %dma_start3A_73 = tpu.memref_slice %arg8[%dma_start3A_71, %dma_start3A_72] : memref<400x128xf32, #tpu.memory_space<vmem>> -> memref<72x128xf32, #tpu.memory_space<vmem>>
    %dma_start3A_74 = arith.constant 328 : i32
    %dma_start3A_75 = tpu.memref_slice %arg7[%dma_start3A_74] : memref<400xi32, #tpu.memory_space<vmem>> -> memref<72xi32, #tpu.memory_space<vmem>>
    %dma_start3A_76 = arith.constant 0 : i32
    %dma_start3A_77 = arith.constant 0 : i32
    %dma_start3A_78 = tpu.memref_slice %arg3[%dma_start3A_76, %dma_start3A_77] : memref<200000x128xf32, #tpu.memory_space<hbm>> -> memref<200000x128xf32, #tpu.memory_space<hbm>>
    tpu.enqueue_indirect_dma source(%dma_start3A_78 : memref<200000x128xf32, #tpu.memory_space<hbm>>) target(%dma_start3A_73 : memref<72x128xf32, #tpu.memory_space<vmem>>) offsets(%dma_start3A_75 : memref<72xi32, #tpu.memory_space<vmem>>) semaphore(%arg13 : memref<!tpu.dma_semaphore, #tpu.memory_space<semaphore_mem>>)
    tpu.wait_dma2 semaphore(%arg14 : memref<!tpu.dma_semaphore, #tpu.memory_space<semaphore_mem>>) src(%arg4 : memref<128xf32, #tpu.memory_space<hbm>>) dst(%arg9 : memref<128xf32, #tpu.memory_space<vmem>>)
    tpu.wait_dma2 semaphore(%arg14 : memref<!tpu.dma_semaphore, #tpu.memory_space<semaphore_mem>>) src(%arg5 : memref<16xf32, #tpu.memory_space<hbm>>) dst(%arg10 : memref<16xf32, #tpu.memory_space<vmem>>)
    %broadcast_in_dim3A = arith.constant 0.000000e+00 : f32
    %broadcast_in_dim3A_79 = vector.broadcast %broadcast_in_dim3A : f32 to vector<16xf32>
    %dma_wait3A_80 = arith.constant 0 : i32
    %dma_wait3A_81 = arith.constant 0 : i32
    %dma_wait3A_82 = tpu.memref_slice %arg8[%dma_wait3A_80, %dma_wait3A_81] : memref<400x128xf32, #tpu.memory_space<vmem>> -> memref<32x128xf32, #tpu.memory_space<vmem>>
    %dma_wait3A_83 = arith.constant 0 : i32
    %dma_wait3A_84 = tpu.memref_slice %arg7[%dma_wait3A_83] : memref<400xi32, #tpu.memory_space<vmem>> -> memref<32xi32, #tpu.memory_space<vmem>>
    %dma_wait3A_85 = arith.constant 0 : i32
    %dma_wait3A_86 = arith.constant 0 : i32
    %dma_wait3A_87 = tpu.memref_slice %arg3[%dma_wait3A_85, %dma_wait3A_86] : memref<200000x128xf32, #tpu.memory_space<hbm>> -> memref<200000x128xf32, #tpu.memory_space<hbm>>
    tpu.wait_indirect_dma semaphore(%arg12 : memref<!tpu.dma_semaphore, #tpu.memory_space<semaphore_mem>>) src(%dma_wait3A_87 : memref<200000x128xf32, #tpu.memory_space<hbm>>) dst(%dma_wait3A_82 : memref<32x128xf32, #tpu.memory_space<vmem>>)
    %parallel_loop3A = arith.constant 0 : i32
    %parallel_loop3A_88 = arith.constant 32 : i32
    %parallel_loop3A_89 = arith.constant 1 : i32
    %parallel_loop3A_90:8 = scf.for %parallel_loop3A_261 = %parallel_loop3A to %parallel_loop3A_88 step %parallel_loop3A_89 iter_args(%parallel_loop3A_262 = %broadcast_in_dim3A_79, %parallel_loop3A_263 = %broadcast_in_dim3A_79, %parallel_loop3A_264 = %broadcast_in_dim3A_79, %parallel_loop3A_265 = %broadcast_in_dim3A_79, %parallel_loop3A_266 = %broadcast_in_dim3A_79, %parallel_loop3A_267 = %broadcast_in_dim3A_79, %parallel_loop3A_268 = %broadcast_in_dim3A_79, %parallel_loop3A_269 = %broadcast_in_dim3A_79) -> (vector<16xf32>, vector<16xf32>, vector<16xf32>, vector<16xf32>, vector<16xf32>, vector<16xf32>, vector<16xf32>, vector<16xf32>)  : i32 {
      %parallel_loop3A_270 = arith.constant 0 : i32
      %parallel_loop3A_271 = arith.addi %parallel_loop3A_270, %parallel_loop3A_261 : i32
      %parallel_loop3A_272 = arith.index_cast %parallel_loop3A_271 : i32 to index
      %parallel_loop3A_273 = arith.constant 0 : index
      %parallel_loop3A_274 = tpu.vector_load %arg8[%parallel_loop3A_272, %parallel_loop3A_273] {strides = array<i32>} : memref<400x128xf32, #tpu.memory_space<vmem>>, vector<16xf32>,
      %parallel_loop3A_275 = arith.addf %parallel_loop3A_262, %parallel_loop3A_274 : vector<16xf32>
      %parallel_loop3A_276 = arith.constant 0 : i32
      %parallel_loop3A_277 = arith.addi %parallel_loop3A_276, %parallel_loop3A_261 : i32
      %parallel_loop3A_278 = arith.index_cast %parallel_loop3A_277 : i32 to index
      %parallel_loop3A_279 = arith.constant 16 : index
      %parallel_loop3A_280 = tpu.vector_load %arg8[%parallel_loop3A_278, %parallel_loop3A_279] {strides = array<i32>} : memref<400x128xf32, #tpu.memory_space<vmem>>, vector<16xf32>,
      %parallel_loop3A_281 = arith.addf %parallel_loop3A_263, %parallel_loop3A_280 : vector<16xf32>
      %parallel_loop3A_282 = arith.constant 0 : i32
      %parallel_loop3A_283 = arith.addi %parallel_loop3A_282, %parallel_loop3A_261 : i32
      %parallel_loop3A_284 = arith.index_cast %parallel_loop3A_283 : i32 to index
      %parallel_loop3A_285 = arith.constant 32 : index
      %parallel_loop3A_286 = tpu.vector_load %arg8[%parallel_loop3A_284, %parallel_loop3A_285] {strides = array<i32>} : memref<400x128xf32, #tpu.memory_space<vmem>>, vector<16xf32>,
      %parallel_loop3A_287 = arith.addf %parallel_loop3A_264, %parallel_loop3A_286 : vector<16xf32>
      %parallel_loop3A_288 = arith.constant 0 : i32
      %parallel_loop3A_289 = arith.addi %parallel_loop3A_288, %parallel_loop3A_261 : i32
      %parallel_loop3A_290 = arith.index_cast %parallel_loop3A_289 : i32 to index
      %parallel_loop3A_291 = arith.constant 48 : index
      %parallel_loop3A_292 = tpu.vector_load %arg8[%parallel_loop3A_290, %parallel_loop3A_291] {strides = array<i32>} : memref<400x128xf32, #tpu.memory_space<vmem>>, vector<16xf32>,
      %parallel_loop3A_293 = arith.addf %parallel_loop3A_265, %parallel_loop3A_292 : vector<16xf32>
      %parallel_loop3A_294 = arith.constant 0 : i32
      %parallel_loop3A_295 = arith.addi %parallel_loop3A_294, %parallel_loop3A_261 : i32
      %parallel_loop3A_296 = arith.index_cast %parallel_loop3A_295 : i32 to index
      %parallel_loop3A_297 = arith.constant 64 : index
      %parallel_loop3A_298 = tpu.vector_load %arg8[%parallel_loop3A_296, %parallel_loop3A_297] {strides = array<i32>} : memref<400x128xf32, #tpu.memory_space<vmem>>, vector<16xf32>,
      %parallel_loop3A_299 = arith.addf %parallel_loop3A_266, %parallel_loop3A_298 : vector<16xf32>
      %parallel_loop3A_300 = arith.constant 0 : i32
      %parallel_loop3A_301 = arith.addi %parallel_loop3A_300, %parallel_loop3A_261 : i32
      %parallel_loop3A_302 = arith.index_cast %parallel_loop3A_301 : i32 to index
      %parallel_loop3A_303 = arith.constant 80 : index
      %parallel_loop3A_304 = tpu.vector_load %arg8[%parallel_loop3A_302, %parallel_loop3A_303] {strides = array<i32>} : memref<400x128xf32, #tpu.memory_space<vmem>>, vector<16xf32>,
      %parallel_loop3A_305 = arith.addf %parallel_loop3A_267, %parallel_loop3A_304 : vector<16xf32>
      %parallel_loop3A_306 = arith.constant 0 : i32
      %parallel_loop3A_307 = arith.addi %parallel_loop3A_306, %parallel_loop3A_261 : i32
      %parallel_loop3A_308 = arith.index_cast %parallel_loop3A_307 : i32 to index
      %parallel_loop3A_309 = arith.constant 96 : index
      %parallel_loop3A_310 = tpu.vector_load %arg8[%parallel_loop3A_308, %parallel_loop3A_309] {strides = array<i32>} : memref<400x128xf32, #tpu.memory_space<vmem>>, vector<16xf32>,
      %parallel_loop3A_311 = arith.addf %parallel_loop3A_268, %parallel_loop3A_310 : vector<16xf32>
      %parallel_loop3A_312 = arith.constant 0 : i32
      %parallel_loop3A_313 = arith.addi %parallel_loop3A_312, %parallel_loop3A_261 : i32
      %parallel_loop3A_314 = arith.index_cast %parallel_loop3A_313 : i32 to index
      %parallel_loop3A_315 = arith.constant 112 : index
      %parallel_loop3A_316 = tpu.vector_load %arg8[%parallel_loop3A_314, %parallel_loop3A_315] {strides = array<i32>} : memref<400x128xf32, #tpu.memory_space<vmem>>, vector<16xf32>,
      %parallel_loop3A_317 = arith.addf %parallel_loop3A_269, %parallel_loop3A_316 : vector<16xf32>
      scf.yield %parallel_loop3A_275, %parallel_loop3A_281, %parallel_loop3A_287, %parallel_loop3A_293, %parallel_loop3A_299, %parallel_loop3A_305, %parallel_loop3A_311, %parallel_loop3A_317 : vector<16xf32>, vector<16xf32>, vector<16xf32>, vector<16xf32>, vector<16xf32>, vector<16xf32>, vector<16xf32>, vector<16xf32>
    } {sc.loop_unroll_factor = 4 : i64, sc.parallel_access}
    %dma_wait3A_91 = arith.constant 32 : i32
    %dma_wait3A_92 = arith.constant 0 : i32
    %dma_wait3A_93 = tpu.memref_slice %arg8[%dma_wait3A_91, %dma_wait3A_92] : memref<400x128xf32, #tpu.memory_space<vmem>> -> memref<96x128xf32, #tpu.memory_space<vmem>>
    %dma_wait3A_94 = arith.constant 32 : i32
    %dma_wait3A_95 = tpu.memref_slice %arg7[%dma_wait3A_94] : memref<400xi32, #tpu.memory_space<vmem>> -> memref<96xi32, #tpu.memory_space<vmem>>
    %dma_wait3A_96 = arith.constant 0 : i32
    %dma_wait3A_97 = arith.constant 0 : i32
    %dma_wait3A_98 = tpu.memref_slice %arg3[%dma_wait3A_96, %dma_wait3A_97] : memref<200000x128xf32, #tpu.memory_space<hbm>> -> memref<200000x128xf32, #tpu.memory_space<hbm>>
    tpu.wait_indirect_dma semaphore(%arg12 : memref<!tpu.dma_semaphore, #tpu.memory_space<semaphore_mem>>) src(%dma_wait3A_98 : memref<200000x128xf32, #tpu.memory_space<hbm>>) dst(%dma_wait3A_93 : memref<96x128xf32, #tpu.memory_space<vmem>>)
    %parallel_loop3A_99 = arith.constant 32 : i32
    %parallel_loop3A_100 = arith.constant 128 : i32
    %parallel_loop3A_101 = arith.constant 1 : i32
    %parallel_loop3A_102:8 = scf.for %parallel_loop3A_261 = %parallel_loop3A_99 to %parallel_loop3A_100 step %parallel_loop3A_101 iter_args(%parallel_loop3A_262 = %parallel_loop3A_90#0, %parallel_loop3A_263 = %parallel_loop3A_90#1, %parallel_loop3A_264 = %parallel_loop3A_90#2, %parallel_loop3A_265 = %parallel_loop3A_90#3, %parallel_loop3A_266 = %parallel_loop3A_90#4, %parallel_loop3A_267 = %parallel_loop3A_90#5, %parallel_loop3A_268 = %parallel_loop3A_90#6, %parallel_loop3A_269 = %parallel_loop3A_90#7) -> (vector<16xf32>, vector<16xf32>, vector<16xf32>, vector<16xf32>, vector<16xf32>, vector<16xf32>, vector<16xf32>, vector<16xf32>)  : i32 {
      %parallel_loop3A_270 = arith.constant 0 : i32
      %parallel_loop3A_271 = arith.addi %parallel_loop3A_270, %parallel_loop3A_261 : i32
      %parallel_loop3A_272 = arith.index_cast %parallel_loop3A_271 : i32 to index
      %parallel_loop3A_273 = arith.constant 0 : index
      %parallel_loop3A_274 = tpu.vector_load %arg8[%parallel_loop3A_272, %parallel_loop3A_273] {strides = array<i32>} : memref<400x128xf32, #tpu.memory_space<vmem>>, vector<16xf32>,
      %parallel_loop3A_275 = arith.addf %parallel_loop3A_262, %parallel_loop3A_274 : vector<16xf32>
      %parallel_loop3A_276 = arith.constant 0 : i32
      %parallel_loop3A_277 = arith.addi %parallel_loop3A_276, %parallel_loop3A_261 : i32
      %parallel_loop3A_278 = arith.index_cast %parallel_loop3A_277 : i32 to index
      %parallel_loop3A_279 = arith.constant 16 : index
      %parallel_loop3A_280 = tpu.vector_load %arg8[%parallel_loop3A_278, %parallel_loop3A_279] {strides = array<i32>} : memref<400x128xf32, #tpu.memory_space<vmem>>, vector<16xf32>,
      %parallel_loop3A_281 = arith.addf %parallel_loop3A_263, %parallel_loop3A_280 : vector<16xf32>
      %parallel_loop3A_282 = arith.constant 0 : i32
      %parallel_loop3A_283 = arith.addi %parallel_loop3A_282, %parallel_loop3A_261 : i32
      %parallel_loop3A_284 = arith.index_cast %parallel_loop3A_283 : i32 to index
      %parallel_loop3A_285 = arith.constant 32 : index
      %parallel_loop3A_286 = tpu.vector_load %arg8[%parallel_loop3A_284, %parallel_loop3A_285] {strides = array<i32>} : memref<400x128xf32, #tpu.memory_space<vmem>>, vector<16xf32>,
      %parallel_loop3A_287 = arith.addf %parallel_loop3A_264, %parallel_loop3A_286 : vector<16xf32>
      %parallel_loop3A_288 = arith.constant 0 : i32
      %parallel_loop3A_289 = arith.addi %parallel_loop3A_288, %parallel_loop3A_261 : i32
      %parallel_loop3A_290 = arith.index_cast %parallel_loop3A_289 : i32 to index
      %parallel_loop3A_291 = arith.constant 48 : index
      %parallel_loop3A_292 = tpu.vector_load %arg8[%parallel_loop3A_290, %parallel_loop3A_291] {strides = array<i32>} : memref<400x128xf32, #tpu.memory_space<vmem>>, vector<16xf32>,
      %parallel_loop3A_293 = arith.addf %parallel_loop3A_265, %parallel_loop3A_292 : vector<16xf32>
      %parallel_loop3A_294 = arith.constant 0 : i32
      %parallel_loop3A_295 = arith.addi %parallel_loop3A_294, %parallel_loop3A_261 : i32
      %parallel_loop3A_296 = arith.index_cast %parallel_loop3A_295 : i32 to index
      %parallel_loop3A_297 = arith.constant 64 : index
      %parallel_loop3A_298 = tpu.vector_load %arg8[%parallel_loop3A_296, %parallel_loop3A_297] {strides = array<i32>} : memref<400x128xf32, #tpu.memory_space<vmem>>, vector<16xf32>,
      %parallel_loop3A_299 = arith.addf %parallel_loop3A_266, %parallel_loop3A_298 : vector<16xf32>
      %parallel_loop3A_300 = arith.constant 0 : i32
      %parallel_loop3A_301 = arith.addi %parallel_loop3A_300, %parallel_loop3A_261 : i32
      %parallel_loop3A_302 = arith.index_cast %parallel_loop3A_301 : i32 to index
      %parallel_loop3A_303 = arith.constant 80 : index
      %parallel_loop3A_304 = tpu.vector_load %arg8[%parallel_loop3A_302, %parallel_loop3A_303] {strides = array<i32>} : memref<400x128xf32, #tpu.memory_space<vmem>>, vector<16xf32>,
      %parallel_loop3A_305 = arith.addf %parallel_loop3A_267, %parallel_loop3A_304 : vector<16xf32>
      %parallel_loop3A_306 = arith.constant 0 : i32
      %parallel_loop3A_307 = arith.addi %parallel_loop3A_306, %parallel_loop3A_261 : i32
      %parallel_loop3A_308 = arith.index_cast %parallel_loop3A_307 : i32 to index
      %parallel_loop3A_309 = arith.constant 96 : index
      %parallel_loop3A_310 = tpu.vector_load %arg8[%parallel_loop3A_308, %parallel_loop3A_309] {strides = array<i32>} : memref<400x128xf32, #tpu.memory_space<vmem>>, vector<16xf32>,
      %parallel_loop3A_311 = arith.addf %parallel_loop3A_268, %parallel_loop3A_310 : vector<16xf32>
      %parallel_loop3A_312 = arith.constant 0 : i32
      %parallel_loop3A_313 = arith.addi %parallel_loop3A_312, %parallel_loop3A_261 : i32
      %parallel_loop3A_314 = arith.index_cast %parallel_loop3A_313 : i32 to index
      %parallel_loop3A_315 = arith.constant 112 : index
      %parallel_loop3A_316 = tpu.vector_load %arg8[%parallel_loop3A_314, %parallel_loop3A_315] {strides = array<i32>} : memref<400x128xf32, #tpu.memory_space<vmem>>, vector<16xf32>,
      %parallel_loop3A_317 = arith.addf %parallel_loop3A_269, %parallel_loop3A_316 : vector<16xf32>
      scf.yield %parallel_loop3A_275, %parallel_loop3A_281, %parallel_loop3A_287, %parallel_loop3A_293, %parallel_loop3A_299, %parallel_loop3A_305, %parallel_loop3A_311, %parallel_loop3A_317 : vector<16xf32>, vector<16xf32>, vector<16xf32>, vector<16xf32>, vector<16xf32>, vector<16xf32>, vector<16xf32>, vector<16xf32>
    } {sc.loop_unroll_factor = 4 : i64, sc.parallel_access}
    %dma_wait3A_103 = arith.constant 128 : i32
    %dma_wait3A_104 = arith.constant 0 : i32
    %dma_wait3A_105 = tpu.memref_slice %arg8[%dma_wait3A_103, %dma_wait3A_104] : memref<400x128xf32, #tpu.memory_space<vmem>> -> memref<72x128xf32, #tpu.memory_space<vmem>>
    %dma_wait3A_106 = arith.constant 128 : i32
    %dma_wait3A_107 = tpu.memref_slice %arg7[%dma_wait3A_106] : memref<400xi32, #tpu.memory_space<vmem>> -> memref<72xi32, #tpu.memory_space<vmem>>
    %dma_wait3A_108 = arith.constant 0 : i32
    %dma_wait3A_109 = arith.constant 0 : i32
    %dma_wait3A_110 = tpu.memref_slice %arg3[%dma_wait3A_108, %dma_wait3A_109] : memref<200000x128xf32, #tpu.memory_space<hbm>> -> memref<200000x128xf32, #tpu.memory_space<hbm>>
    tpu.wait_indirect_dma semaphore(%arg12 : memref<!tpu.dma_semaphore, #tpu.memory_space<semaphore_mem>>) src(%dma_wait3A_110 : memref<200000x128xf32, #tpu.memory_space<hbm>>) dst(%dma_wait3A_105 : memref<72x128xf32, #tpu.memory_space<vmem>>)
    %parallel_loop3A_111 = arith.constant 128 : i32
    %parallel_loop3A_112 = arith.constant 200 : i32
    %parallel_loop3A_113 = arith.constant 1 : i32
    %parallel_loop3A_114:8 = scf.for %parallel_loop3A_261 = %parallel_loop3A_111 to %parallel_loop3A_112 step %parallel_loop3A_113 iter_args(%parallel_loop3A_262 = %parallel_loop3A_102#0, %parallel_loop3A_263 = %parallel_loop3A_102#1, %parallel_loop3A_264 = %parallel_loop3A_102#2, %parallel_loop3A_265 = %parallel_loop3A_102#3, %parallel_loop3A_266 = %parallel_loop3A_102#4, %parallel_loop3A_267 = %parallel_loop3A_102#5, %parallel_loop3A_268 = %parallel_loop3A_102#6, %parallel_loop3A_269 = %parallel_loop3A_102#7) -> (vector<16xf32>, vector<16xf32>, vector<16xf32>, vector<16xf32>, vector<16xf32>, vector<16xf32>, vector<16xf32>, vector<16xf32>)  : i32 {
      %parallel_loop3A_270 = arith.constant 0 : i32
      %parallel_loop3A_271 = arith.addi %parallel_loop3A_270, %parallel_loop3A_261 : i32
      %parallel_loop3A_272 = arith.index_cast %parallel_loop3A_271 : i32 to index
      %parallel_loop3A_273 = arith.constant 0 : index
      %parallel_loop3A_274 = tpu.vector_load %arg8[%parallel_loop3A_272, %parallel_loop3A_273] {strides = array<i32>} : memref<400x128xf32, #tpu.memory_space<vmem>>, vector<16xf32>,
      %parallel_loop3A_275 = arith.addf %parallel_loop3A_262, %parallel_loop3A_274 : vector<16xf32>
      %parallel_loop3A_276 = arith.constant 0 : i32
      %parallel_loop3A_277 = arith.addi %parallel_loop3A_276, %parallel_loop3A_261 : i32
      %parallel_loop3A_278 = arith.index_cast %parallel_loop3A_277 : i32 to index
      %parallel_loop3A_279 = arith.constant 16 : index
      %parallel_loop3A_280 = tpu.vector_load %arg8[%parallel_loop3A_278, %parallel_loop3A_279] {strides = array<i32>} : memref<400x128xf32, #tpu.memory_space<vmem>>, vector<16xf32>,
      %parallel_loop3A_281 = arith.addf %parallel_loop3A_263, %parallel_loop3A_280 : vector<16xf32>
      %parallel_loop3A_282 = arith.constant 0 : i32
      %parallel_loop3A_283 = arith.addi %parallel_loop3A_282, %parallel_loop3A_261 : i32
      %parallel_loop3A_284 = arith.index_cast %parallel_loop3A_283 : i32 to index
      %parallel_loop3A_285 = arith.constant 32 : index
      %parallel_loop3A_286 = tpu.vector_load %arg8[%parallel_loop3A_284, %parallel_loop3A_285] {strides = array<i32>} : memref<400x128xf32, #tpu.memory_space<vmem>>, vector<16xf32>,
      %parallel_loop3A_287 = arith.addf %parallel_loop3A_264, %parallel_loop3A_286 : vector<16xf32>
      %parallel_loop3A_288 = arith.constant 0 : i32
      %parallel_loop3A_289 = arith.addi %parallel_loop3A_288, %parallel_loop3A_261 : i32
      %parallel_loop3A_290 = arith.index_cast %parallel_loop3A_289 : i32 to index
      %parallel_loop3A_291 = arith.constant 48 : index
      %parallel_loop3A_292 = tpu.vector_load %arg8[%parallel_loop3A_290, %parallel_loop3A_291] {strides = array<i32>} : memref<400x128xf32, #tpu.memory_space<vmem>>, vector<16xf32>,
      %parallel_loop3A_293 = arith.addf %parallel_loop3A_265, %parallel_loop3A_292 : vector<16xf32>
      %parallel_loop3A_294 = arith.constant 0 : i32
      %parallel_loop3A_295 = arith.addi %parallel_loop3A_294, %parallel_loop3A_261 : i32
      %parallel_loop3A_296 = arith.index_cast %parallel_loop3A_295 : i32 to index
      %parallel_loop3A_297 = arith.constant 64 : index
      %parallel_loop3A_298 = tpu.vector_load %arg8[%parallel_loop3A_296, %parallel_loop3A_297] {strides = array<i32>} : memref<400x128xf32, #tpu.memory_space<vmem>>, vector<16xf32>,
      %parallel_loop3A_299 = arith.addf %parallel_loop3A_266, %parallel_loop3A_298 : vector<16xf32>
      %parallel_loop3A_300 = arith.constant 0 : i32
      %parallel_loop3A_301 = arith.addi %parallel_loop3A_300, %parallel_loop3A_261 : i32
      %parallel_loop3A_302 = arith.index_cast %parallel_loop3A_301 : i32 to index
      %parallel_loop3A_303 = arith.constant 80 : index
      %parallel_loop3A_304 = tpu.vector_load %arg8[%parallel_loop3A_302, %parallel_loop3A_303] {strides = array<i32>} : memref<400x128xf32, #tpu.memory_space<vmem>>, vector<16xf32>,
      %parallel_loop3A_305 = arith.addf %parallel_loop3A_267, %parallel_loop3A_304 : vector<16xf32>
      %parallel_loop3A_306 = arith.constant 0 : i32
      %parallel_loop3A_307 = arith.addi %parallel_loop3A_306, %parallel_loop3A_261 : i32
      %parallel_loop3A_308 = arith.index_cast %parallel_loop3A_307 : i32 to index
      %parallel_loop3A_309 = arith.constant 96 : index
      %parallel_loop3A_310 = tpu.vector_load %arg8[%parallel_loop3A_308, %parallel_loop3A_309] {strides = array<i32>} : memref<400x128xf32, #tpu.memory_space<vmem>>, vector<16xf32>,
      %parallel_loop3A_311 = arith.addf %parallel_loop3A_268, %parallel_loop3A_310 : vector<16xf32>
      %parallel_loop3A_312 = arith.constant 0 : i32
      %parallel_loop3A_313 = arith.addi %parallel_loop3A_312, %parallel_loop3A_261 : i32
      %parallel_loop3A_314 = arith.index_cast %parallel_loop3A_313 : i32 to index
      %parallel_loop3A_315 = arith.constant 112 : index
      %parallel_loop3A_316 = tpu.vector_load %arg8[%parallel_loop3A_314, %parallel_loop3A_315] {strides = array<i32>} : memref<400x128xf32, #tpu.memory_space<vmem>>, vector<16xf32>,
      %parallel_loop3A_317 = arith.addf %parallel_loop3A_269, %parallel_loop3A_316 : vector<16xf32>
      scf.yield %parallel_loop3A_275, %parallel_loop3A_281, %parallel_loop3A_287, %parallel_loop3A_293, %parallel_loop3A_299, %parallel_loop3A_305, %parallel_loop3A_311, %parallel_loop3A_317 : vector<16xf32>, vector<16xf32>, vector<16xf32>, vector<16xf32>, vector<16xf32>, vector<16xf32>, vector<16xf32>, vector<16xf32>
    } {sc.loop_unroll_factor = 4 : i64, sc.parallel_access}
    %get3A = arith.constant 0 : index
    %get3A_115 = tpu.vector_load %arg9[%get3A] {strides = array<i32>} : memref<128xf32, #tpu.memory_space<vmem>>, vector<16xf32>,
    %mul3A_116 = arith.mulf %parallel_loop3A_114#0, %get3A_115 : vector<16xf32>
    %add3A_117 = arith.addf %broadcast_in_dim3A_79, %mul3A_116 : vector<16xf32>
    %get3A_118 = arith.constant 16 : index
    %get3A_119 = tpu.vector_load %arg9[%get3A_118] {strides = array<i32>} : memref<128xf32, #tpu.memory_space<vmem>>, vector<16xf32>,
    %mul3A_120 = arith.mulf %parallel_loop3A_114#1, %get3A_119 : vector<16xf32>
    %add3A_121 = arith.addf %add3A_117, %mul3A_120 : vector<16xf32>
    %get3A_122 = arith.constant 32 : index
    %get3A_123 = tpu.vector_load %arg9[%get3A_122] {strides = array<i32>} : memref<128xf32, #tpu.memory_space<vmem>>, vector<16xf32>,
    %mul3A_124 = arith.mulf %parallel_loop3A_114#2, %get3A_123 : vector<16xf32>
    %add3A_125 = arith.addf %add3A_121, %mul3A_124 : vector<16xf32>
    %get3A_126 = arith.constant 48 : index
    %get3A_127 = tpu.vector_load %arg9[%get3A_126] {strides = array<i32>} : memref<128xf32, #tpu.memory_space<vmem>>, vector<16xf32>,
    %mul3A_128 = arith.mulf %parallel_loop3A_114#3, %get3A_127 : vector<16xf32>
    %add3A_129 = arith.addf %add3A_125, %mul3A_128 : vector<16xf32>
    %get3A_130 = arith.constant 64 : index
    %get3A_131 = tpu.vector_load %arg9[%get3A_130] {strides = array<i32>} : memref<128xf32, #tpu.memory_space<vmem>>, vector<16xf32>,
    %mul3A_132 = arith.mulf %parallel_loop3A_114#4, %get3A_131 : vector<16xf32>
    %add3A_133 = arith.addf %add3A_129, %mul3A_132 : vector<16xf32>
    %get3A_134 = arith.constant 80 : index
    %get3A_135 = tpu.vector_load %arg9[%get3A_134] {strides = array<i32>} : memref<128xf32, #tpu.memory_space<vmem>>, vector<16xf32>,
    %mul3A_136 = arith.mulf %parallel_loop3A_114#5, %get3A_135 : vector<16xf32>
    %add3A_137 = arith.addf %add3A_133, %mul3A_136 : vector<16xf32>
    %get3A_138 = arith.constant 96 : index
    %get3A_139 = tpu.vector_load %arg9[%get3A_138] {strides = array<i32>} : memref<128xf32, #tpu.memory_space<vmem>>, vector<16xf32>,
    %mul3A_140 = arith.mulf %parallel_loop3A_114#6, %get3A_139 : vector<16xf32>
    %add3A_141 = arith.addf %add3A_137, %mul3A_140 : vector<16xf32>
    %get3A_142 = arith.constant 112 : index
    %get3A_143 = tpu.vector_load %arg9[%get3A_142] {strides = array<i32>} : memref<128xf32, #tpu.memory_space<vmem>>, vector<16xf32>,
    %mul3A_144 = arith.mulf %parallel_loop3A_114#7, %get3A_143 : vector<16xf32>
    %add3A_145 = arith.addf %add3A_141, %mul3A_144 : vector<16xf32>
    %reduce_sum3A = arith.constant true
    %reduce_sum3A_146 = vector.broadcast %reduce_sum3A : i1 to vector<16xi1>
    %reduce_sum3A_147 = tpu.scan <sum>, %add3A_145 masked %reduce_sum3A_146 : vector<16xf32>, vector<16xi1> -> vector<16xf32>
    %reduce_sum3A_148 = vector.extract %reduce_sum3A_147[15] : f32 from vector<16xf32>
    %mul3A_149 = arith.constant 5.000000e-03 : f32
    %mul3A_150 = arith.mulf %reduce_sum3A_148, %mul3A_149 : f32
    %broadcast_in_dim3A_151 = vector.broadcast %mul3A_150 : f32 to vector<16xf32>
    %get3A_152 = arith.constant 0 : index
    %get3A_153 = tpu.vector_load %arg10[%get3A_152] {strides = array<i32>} : memref<16xf32, #tpu.memory_space<vmem>>, vector<16xf32>,
    %add3A_154 = arith.addf %broadcast_in_dim3A_151, %get3A_153 : vector<16xf32>
    %neg3A = arith.constant 0.000000e+00 : f32
    %neg3A_155 = vector.broadcast %neg3A : f32 to vector<16xf32>
    %neg3A_156 = arith.subf %neg3A_155, %add3A_154 : vector<16xf32>
    %exp3A = math.exp %neg3A_156 : vector<16xf32>
    %add3A_157 = arith.constant 1.000000e+00 : f32
    %add3A_158 = vector.broadcast %add3A_157 : f32 to vector<16xf32>
    %add3A_159 = arith.addf %add3A_158, %exp3A : vector<16xf32>
    %div3A = arith.constant 1.000000e+00 : f32
    %div3A_160 = vector.broadcast %div3A : f32 to vector<16xf32>
    %div3A_161 = arith.divf %div3A_160, %add3A_159 : vector<16xf32>
    %swap3A = arith.constant 0 : i32
    %swap3A_162 = arith.index_cast %swap3A : i32 to index
    %swap3A_163 = arith.constant 0 : index
    %swap3A_164 = tpu.vector_load %arg11[%swap3A_162, %swap3A_163] {strides = array<i32>} : memref<2x16xf32, #tpu.memory_space<vmem>>, vector<16xf32>,
    tpu.vector_store %arg11[%swap3A_162, %swap3A_163], %div3A_161 {strides = array<i32>} : memref<2x16xf32, #tpu.memory_space<vmem>>, vector<16xf32>,
    %broadcast_in_dim3A_165 = arith.constant 0.000000e+00 : f32
    %broadcast_in_dim3A_166 = vector.broadcast %broadcast_in_dim3A_165 : f32 to vector<16xf32>
    %dma_wait3A_167 = arith.constant 200 : i32
    %dma_wait3A_168 = arith.constant 0 : i32
    %dma_wait3A_169 = tpu.memref_slice %arg8[%dma_wait3A_167, %dma_wait3A_168] : memref<400x128xf32, #tpu.memory_space<vmem>> -> memref<32x128xf32, #tpu.memory_space<vmem>>
    %dma_wait3A_170 = arith.constant 200 : i32
    %dma_wait3A_171 = tpu.memref_slice %arg7[%dma_wait3A_170] : memref<400xi32, #tpu.memory_space<vmem>> -> memref<32xi32, #tpu.memory_space<vmem>>
    %dma_wait3A_172 = arith.constant 0 : i32
    %dma_wait3A_173 = arith.constant 0 : i32
    %dma_wait3A_174 = tpu.memref_slice %arg3[%dma_wait3A_172, %dma_wait3A_173] : memref<200000x128xf32, #tpu.memory_space<hbm>> -> memref<200000x128xf32, #tpu.memory_space<hbm>>
    tpu.wait_indirect_dma semaphore(%arg13 : memref<!tpu.dma_semaphore, #tpu.memory_space<semaphore_mem>>) src(%dma_wait3A_174 : memref<200000x128xf32, #tpu.memory_space<hbm>>) dst(%dma_wait3A_169 : memref<32x128xf32, #tpu.memory_space<vmem>>)
    %parallel_loop3A_175 = arith.constant 0 : i32
    %parallel_loop3A_176 = arith.constant 32 : i32
    %parallel_loop3A_177 = arith.constant 1 : i32
    %parallel_loop3A_178:8 = scf.for %parallel_loop3A_261 = %parallel_loop3A_175 to %parallel_loop3A_176 step %parallel_loop3A_177 iter_args(%parallel_loop3A_262 = %broadcast_in_dim3A_166, %parallel_loop3A_263 = %broadcast_in_dim3A_166, %parallel_loop3A_264 = %broadcast_in_dim3A_166, %parallel_loop3A_265 = %broadcast_in_dim3A_166, %parallel_loop3A_266 = %broadcast_in_dim3A_166, %parallel_loop3A_267 = %broadcast_in_dim3A_166, %parallel_loop3A_268 = %broadcast_in_dim3A_166, %parallel_loop3A_269 = %broadcast_in_dim3A_166) -> (vector<16xf32>, vector<16xf32>, vector<16xf32>, vector<16xf32>, vector<16xf32>, vector<16xf32>, vector<16xf32>, vector<16xf32>)  : i32 {
      %parallel_loop3A_270 = arith.constant 200 : i32
      %parallel_loop3A_271 = arith.addi %parallel_loop3A_270, %parallel_loop3A_261 : i32
      %parallel_loop3A_272 = arith.index_cast %parallel_loop3A_271 : i32 to index
      %parallel_loop3A_273 = arith.constant 0 : index
      %parallel_loop3A_274 = tpu.vector_load %arg8[%parallel_loop3A_272, %parallel_loop3A_273] {strides = array<i32>} : memref<400x128xf32, #tpu.memory_space<vmem>>, vector<16xf32>,
      %parallel_loop3A_275 = arith.addf %parallel_loop3A_262, %parallel_loop3A_274 : vector<16xf32>
      %parallel_loop3A_276 = arith.constant 200 : i32
      %parallel_loop3A_277 = arith.addi %parallel_loop3A_276, %parallel_loop3A_261 : i32
      %parallel_loop3A_278 = arith.index_cast %parallel_loop3A_277 : i32 to index
      %parallel_loop3A_279 = arith.constant 16 : index
      %parallel_loop3A_280 = tpu.vector_load %arg8[%parallel_loop3A_278, %parallel_loop3A_279] {strides = array<i32>} : memref<400x128xf32, #tpu.memory_space<vmem>>, vector<16xf32>,
      %parallel_loop3A_281 = arith.addf %parallel_loop3A_263, %parallel_loop3A_280 : vector<16xf32>
      %parallel_loop3A_282 = arith.constant 200 : i32
      %parallel_loop3A_283 = arith.addi %parallel_loop3A_282, %parallel_loop3A_261 : i32
      %parallel_loop3A_284 = arith.index_cast %parallel_loop3A_283 : i32 to index
      %parallel_loop3A_285 = arith.constant 32 : index
      %parallel_loop3A_286 = tpu.vector_load %arg8[%parallel_loop3A_284, %parallel_loop3A_285] {strides = array<i32>} : memref<400x128xf32, #tpu.memory_space<vmem>>, vector<16xf32>,
      %parallel_loop3A_287 = arith.addf %parallel_loop3A_264, %parallel_loop3A_286 : vector<16xf32>
      %parallel_loop3A_288 = arith.constant 200 : i32
      %parallel_loop3A_289 = arith.addi %parallel_loop3A_288, %parallel_loop3A_261 : i32
      %parallel_loop3A_290 = arith.index_cast %parallel_loop3A_289 : i32 to index
      %parallel_loop3A_291 = arith.constant 48 : index
      %parallel_loop3A_292 = tpu.vector_load %arg8[%parallel_loop3A_290, %parallel_loop3A_291] {strides = array<i32>} : memref<400x128xf32, #tpu.memory_space<vmem>>, vector<16xf32>,
      %parallel_loop3A_293 = arith.addf %parallel_loop3A_265, %parallel_loop3A_292 : vector<16xf32>
      %parallel_loop3A_294 = arith.constant 200 : i32
      %parallel_loop3A_295 = arith.addi %parallel_loop3A_294, %parallel_loop3A_261 : i32
      %parallel_loop3A_296 = arith.index_cast %parallel_loop3A_295 : i32 to index
      %parallel_loop3A_297 = arith.constant 64 : index
      %parallel_loop3A_298 = tpu.vector_load %arg8[%parallel_loop3A_296, %parallel_loop3A_297] {strides = array<i32>} : memref<400x128xf32, #tpu.memory_space<vmem>>, vector<16xf32>,
      %parallel_loop3A_299 = arith.addf %parallel_loop3A_266, %parallel_loop3A_298 : vector<16xf32>
      %parallel_loop3A_300 = arith.constant 200 : i32
      %parallel_loop3A_301 = arith.addi %parallel_loop3A_300, %parallel_loop3A_261 : i32
      %parallel_loop3A_302 = arith.index_cast %parallel_loop3A_301 : i32 to index
      %parallel_loop3A_303 = arith.constant 80 : index
      %parallel_loop3A_304 = tpu.vector_load %arg8[%parallel_loop3A_302, %parallel_loop3A_303] {strides = array<i32>} : memref<400x128xf32, #tpu.memory_space<vmem>>, vector<16xf32>,
      %parallel_loop3A_305 = arith.addf %parallel_loop3A_267, %parallel_loop3A_304 : vector<16xf32>
      %parallel_loop3A_306 = arith.constant 200 : i32
      %parallel_loop3A_307 = arith.addi %parallel_loop3A_306, %parallel_loop3A_261 : i32
      %parallel_loop3A_308 = arith.index_cast %parallel_loop3A_307 : i32 to index
      %parallel_loop3A_309 = arith.constant 96 : index
      %parallel_loop3A_310 = tpu.vector_load %arg8[%parallel_loop3A_308, %parallel_loop3A_309] {strides = array<i32>} : memref<400x128xf32, #tpu.memory_space<vmem>>, vector<16xf32>,
      %parallel_loop3A_311 = arith.addf %parallel_loop3A_268, %parallel_loop3A_310 : vector<16xf32>
      %parallel_loop3A_312 = arith.constant 200 : i32
      %parallel_loop3A_313 = arith.addi %parallel_loop3A_312, %parallel_loop3A_261 : i32
      %parallel_loop3A_314 = arith.index_cast %parallel_loop3A_313 : i32 to index
      %parallel_loop3A_315 = arith.constant 112 : index
      %parallel_loop3A_316 = tpu.vector_load %arg8[%parallel_loop3A_314, %parallel_loop3A_315] {strides = array<i32>} : memref<400x128xf32, #tpu.memory_space<vmem>>, vector<16xf32>,
      %parallel_loop3A_317 = arith.addf %parallel_loop3A_269, %parallel_loop3A_316 : vector<16xf32>
      scf.yield %parallel_loop3A_275, %parallel_loop3A_281, %parallel_loop3A_287, %parallel_loop3A_293, %parallel_loop3A_299, %parallel_loop3A_305, %parallel_loop3A_311, %parallel_loop3A_317 : vector<16xf32>, vector<16xf32>, vector<16xf32>, vector<16xf32>, vector<16xf32>, vector<16xf32>, vector<16xf32>, vector<16xf32>
    } {sc.loop_unroll_factor = 4 : i64, sc.parallel_access}
    %dma_wait3A_179 = arith.constant 232 : i32
    %dma_wait3A_180 = arith.constant 0 : i32
    %dma_wait3A_181 = tpu.memref_slice %arg8[%dma_wait3A_179, %dma_wait3A_180] : memref<400x128xf32, #tpu.memory_space<vmem>> -> memref<96x128xf32, #tpu.memory_space<vmem>>
    %dma_wait3A_182 = arith.constant 232 : i32
    %dma_wait3A_183 = tpu.memref_slice %arg7[%dma_wait3A_182] : memref<400xi32, #tpu.memory_space<vmem>> -> memref<96xi32, #tpu.memory_space<vmem>>
    %dma_wait3A_184 = arith.constant 0 : i32
    %dma_wait3A_185 = arith.constant 0 : i32
    %dma_wait3A_186 = tpu.memref_slice %arg3[%dma_wait3A_184, %dma_wait3A_185] : memref<200000x128xf32, #tpu.memory_space<hbm>> -> memref<200000x128xf32, #tpu.memory_space<hbm>>
    tpu.wait_indirect_dma semaphore(%arg13 : memref<!tpu.dma_semaphore, #tpu.memory_space<semaphore_mem>>) src(%dma_wait3A_186 : memref<200000x128xf32, #tpu.memory_space<hbm>>) dst(%dma_wait3A_181 : memref<96x128xf32, #tpu.memory_space<vmem>>)
    %parallel_loop3A_187 = arith.constant 32 : i32
    %parallel_loop3A_188 = arith.constant 128 : i32
    %parallel_loop3A_189 = arith.constant 1 : i32
    %parallel_loop3A_190:8 = scf.for %parallel_loop3A_261 = %parallel_loop3A_187 to %parallel_loop3A_188 step %parallel_loop3A_189 iter_args(%parallel_loop3A_262 = %parallel_loop3A_178#0, %parallel_loop3A_263 = %parallel_loop3A_178#1, %parallel_loop3A_264 = %parallel_loop3A_178#2, %parallel_loop3A_265 = %parallel_loop3A_178#3, %parallel_loop3A_266 = %parallel_loop3A_178#4, %parallel_loop3A_267 = %parallel_loop3A_178#5, %parallel_loop3A_268 = %parallel_loop3A_178#6, %parallel_loop3A_269 = %parallel_loop3A_178#7) -> (vector<16xf32>, vector<16xf32>, vector<16xf32>, vector<16xf32>, vector<16xf32>, vector<16xf32>, vector<16xf32>, vector<16xf32>)  : i32 {
      %parallel_loop3A_270 = arith.constant 200 : i32
      %parallel_loop3A_271 = arith.addi %parallel_loop3A_270, %parallel_loop3A_261 : i32
      %parallel_loop3A_272 = arith.index_cast %parallel_loop3A_271 : i32 to index
      %parallel_loop3A_273 = arith.constant 0 : index
      %parallel_loop3A_274 = tpu.vector_load %arg8[%parallel_loop3A_272, %parallel_loop3A_273] {strides = array<i32>} : memref<400x128xf32, #tpu.memory_space<vmem>>, vector<16xf32>,
      %parallel_loop3A_275 = arith.addf %parallel_loop3A_262, %parallel_loop3A_274 : vector<16xf32>
      %parallel_loop3A_276 = arith.constant 200 : i32
      %parallel_loop3A_277 = arith.addi %parallel_loop3A_276, %parallel_loop3A_261 : i32
      %parallel_loop3A_278 = arith.index_cast %parallel_loop3A_277 : i32 to index
      %parallel_loop3A_279 = arith.constant 16 : index
      %parallel_loop3A_280 = tpu.vector_load %arg8[%parallel_loop3A_278, %parallel_loop3A_279] {strides = array<i32>} : memref<400x128xf32, #tpu.memory_space<vmem>>, vector<16xf32>,
      %parallel_loop3A_281 = arith.addf %parallel_loop3A_263, %parallel_loop3A_280 : vector<16xf32>
      %parallel_loop3A_282 = arith.constant 200 : i32
      %parallel_loop3A_283 = arith.addi %parallel_loop3A_282, %parallel_loop3A_261 : i32
      %parallel_loop3A_284 = arith.index_cast %parallel_loop3A_283 : i32 to index
      %parallel_loop3A_285 = arith.constant 32 : index
      %parallel_loop3A_286 = tpu.vector_load %arg8[%parallel_loop3A_284, %parallel_loop3A_285] {strides = array<i32>} : memref<400x128xf32, #tpu.memory_space<vmem>>, vector<16xf32>,
      %parallel_loop3A_287 = arith.addf %parallel_loop3A_264, %parallel_loop3A_286 : vector<16xf32>
      %parallel_loop3A_288 = arith.constant 200 : i32
      %parallel_loop3A_289 = arith.addi %parallel_loop3A_288, %parallel_loop3A_261 : i32
      %parallel_loop3A_290 = arith.index_cast %parallel_loop3A_289 : i32 to index
      %parallel_loop3A_291 = arith.constant 48 : index
      %parallel_loop3A_292 = tpu.vector_load %arg8[%parallel_loop3A_290, %parallel_loop3A_291] {strides = array<i32>} : memref<400x128xf32, #tpu.memory_space<vmem>>, vector<16xf32>,
      %parallel_loop3A_293 = arith.addf %parallel_loop3A_265, %parallel_loop3A_292 : vector<16xf32>
      %parallel_loop3A_294 = arith.constant 200 : i32
      %parallel_loop3A_295 = arith.addi %parallel_loop3A_294, %parallel_loop3A_261 : i32
      %parallel_loop3A_296 = arith.index_cast %parallel_loop3A_295 : i32 to index
      %parallel_loop3A_297 = arith.constant 64 : index
      %parallel_loop3A_298 = tpu.vector_load %arg8[%parallel_loop3A_296, %parallel_loop3A_297] {strides = array<i32>} : memref<400x128xf32, #tpu.memory_space<vmem>>, vector<16xf32>,
      %parallel_loop3A_299 = arith.addf %parallel_loop3A_266, %parallel_loop3A_298 : vector<16xf32>
      %parallel_loop3A_300 = arith.constant 200 : i32
      %parallel_loop3A_301 = arith.addi %parallel_loop3A_300, %parallel_loop3A_261 : i32
      %parallel_loop3A_302 = arith.index_cast %parallel_loop3A_301 : i32 to index
      %parallel_loop3A_303 = arith.constant 80 : index
      %parallel_loop3A_304 = tpu.vector_load %arg8[%parallel_loop3A_302, %parallel_loop3A_303] {strides = array<i32>} : memref<400x128xf32, #tpu.memory_space<vmem>>, vector<16xf32>,
      %parallel_loop3A_305 = arith.addf %parallel_loop3A_267, %parallel_loop3A_304 : vector<16xf32>
      %parallel_loop3A_306 = arith.constant 200 : i32
      %parallel_loop3A_307 = arith.addi %parallel_loop3A_306, %parallel_loop3A_261 : i32
      %parallel_loop3A_308 = arith.index_cast %parallel_loop3A_307 : i32 to index
      %parallel_loop3A_309 = arith.constant 96 : index
      %parallel_loop3A_310 = tpu.vector_load %arg8[%parallel_loop3A_308, %parallel_loop3A_309] {strides = array<i32>} : memref<400x128xf32, #tpu.memory_space<vmem>>, vector<16xf32>,
      %parallel_loop3A_311 = arith.addf %parallel_loop3A_268, %parallel_loop3A_310 : vector<16xf32>
      %parallel_loop3A_312 = arith.constant 200 : i32
      %parallel_loop3A_313 = arith.addi %parallel_loop3A_312, %parallel_loop3A_261 : i32
      %parallel_loop3A_314 = arith.index_cast %parallel_loop3A_313 : i32 to index
      %parallel_loop3A_315 = arith.constant 112 : index
      %parallel_loop3A_316 = tpu.vector_load %arg8[%parallel_loop3A_314, %parallel_loop3A_315] {strides = array<i32>} : memref<400x128xf32, #tpu.memory_space<vmem>>, vector<16xf32>,
      %parallel_loop3A_317 = arith.addf %parallel_loop3A_269, %parallel_loop3A_316 : vector<16xf32>
      scf.yield %parallel_loop3A_275, %parallel_loop3A_281, %parallel_loop3A_287, %parallel_loop3A_293, %parallel_loop3A_299, %parallel_loop3A_305, %parallel_loop3A_311, %parallel_loop3A_317 : vector<16xf32>, vector<16xf32>, vector<16xf32>, vector<16xf32>, vector<16xf32>, vector<16xf32>, vector<16xf32>, vector<16xf32>
    } {sc.loop_unroll_factor = 4 : i64, sc.parallel_access}
    %dma_wait3A_191 = arith.constant 328 : i32
    %dma_wait3A_192 = arith.constant 0 : i32
    %dma_wait3A_193 = tpu.memref_slice %arg8[%dma_wait3A_191, %dma_wait3A_192] : memref<400x128xf32, #tpu.memory_space<vmem>> -> memref<72x128xf32, #tpu.memory_space<vmem>>
    %dma_wait3A_194 = arith.constant 328 : i32
    %dma_wait3A_195 = tpu.memref_slice %arg7[%dma_wait3A_194] : memref<400xi32, #tpu.memory_space<vmem>> -> memref<72xi32, #tpu.memory_space<vmem>>
    %dma_wait3A_196 = arith.constant 0 : i32
    %dma_wait3A_197 = arith.constant 0 : i32
    %dma_wait3A_198 = tpu.memref_slice %arg3[%dma_wait3A_196, %dma_wait3A_197] : memref<200000x128xf32, #tpu.memory_space<hbm>> -> memref<200000x128xf32, #tpu.memory_space<hbm>>
    tpu.wait_indirect_dma semaphore(%arg13 : memref<!tpu.dma_semaphore, #tpu.memory_space<semaphore_mem>>) src(%dma_wait3A_198 : memref<200000x128xf32, #tpu.memory_space<hbm>>) dst(%dma_wait3A_193 : memref<72x128xf32, #tpu.memory_space<vmem>>)
    %parallel_loop3A_199 = arith.constant 128 : i32
    %parallel_loop3A_200 = arith.constant 200 : i32
    %parallel_loop3A_201 = arith.constant 1 : i32
    %parallel_loop3A_202:8 = scf.for %parallel_loop3A_261 = %parallel_loop3A_199 to %parallel_loop3A_200 step %parallel_loop3A_201 iter_args(%parallel_loop3A_262 = %parallel_loop3A_190#0, %parallel_loop3A_263 = %parallel_loop3A_190#1, %parallel_loop3A_264 = %parallel_loop3A_190#2, %parallel_loop3A_265 = %parallel_loop3A_190#3, %parallel_loop3A_266 = %parallel_loop3A_190#4, %parallel_loop3A_267 = %parallel_loop3A_190#5, %parallel_loop3A_268 = %parallel_loop3A_190#6, %parallel_loop3A_269 = %parallel_loop3A_190#7) -> (vector<16xf32>, vector<16xf32>, vector<16xf32>, vector<16xf32>, vector<16xf32>, vector<16xf32>, vector<16xf32>, vector<16xf32>)  : i32 {
      %parallel_loop3A_270 = arith.constant 200 : i32
      %parallel_loop3A_271 = arith.addi %parallel_loop3A_270, %parallel_loop3A_261 : i32
      %parallel_loop3A_272 = arith.index_cast %parallel_loop3A_271 : i32 to index
      %parallel_loop3A_273 = arith.constant 0 : index
      %parallel_loop3A_274 = tpu.vector_load %arg8[%parallel_loop3A_272, %parallel_loop3A_273] {strides = array<i32>} : memref<400x128xf32, #tpu.memory_space<vmem>>, vector<16xf32>,
      %parallel_loop3A_275 = arith.addf %parallel_loop3A_262, %parallel_loop3A_274 : vector<16xf32>
      %parallel_loop3A_276 = arith.constant 200 : i32
      %parallel_loop3A_277 = arith.addi %parallel_loop3A_276, %parallel_loop3A_261 : i32
      %parallel_loop3A_278 = arith.index_cast %parallel_loop3A_277 : i32 to index
      %parallel_loop3A_279 = arith.constant 16 : index
      %parallel_loop3A_280 = tpu.vector_load %arg8[%parallel_loop3A_278, %parallel_loop3A_279] {strides = array<i32>} : memref<400x128xf32, #tpu.memory_space<vmem>>, vector<16xf32>,
      %parallel_loop3A_281 = arith.addf %parallel_loop3A_263, %parallel_loop3A_280 : vector<16xf32>
      %parallel_loop3A_282 = arith.constant 200 : i32
      %parallel_loop3A_283 = arith.addi %parallel_loop3A_282, %parallel_loop3A_261 : i32
      %parallel_loop3A_284 = arith.index_cast %parallel_loop3A_283 : i32 to index
      %parallel_loop3A_285 = arith.constant 32 : index
      %parallel_loop3A_286 = tpu.vector_load %arg8[%parallel_loop3A_284, %parallel_loop3A_285] {strides = array<i32>} : memref<400x128xf32, #tpu.memory_space<vmem>>, vector<16xf32>,
      %parallel_loop3A_287 = arith.addf %parallel_loop3A_264, %parallel_loop3A_286 : vector<16xf32>
      %parallel_loop3A_288 = arith.constant 200 : i32
      %parallel_loop3A_289 = arith.addi %parallel_loop3A_288, %parallel_loop3A_261 : i32
      %parallel_loop3A_290 = arith.index_cast %parallel_loop3A_289 : i32 to index
      %parallel_loop3A_291 = arith.constant 48 : index
      %parallel_loop3A_292 = tpu.vector_load %arg8[%parallel_loop3A_290, %parallel_loop3A_291] {strides = array<i32>} : memref<400x128xf32, #tpu.memory_space<vmem>>, vector<16xf32>,
      %parallel_loop3A_293 = arith.addf %parallel_loop3A_265, %parallel_loop3A_292 : vector<16xf32>
      %parallel_loop3A_294 = arith.constant 200 : i32
      %parallel_loop3A_295 = arith.addi %parallel_loop3A_294, %parallel_loop3A_261 : i32
      %parallel_loop3A_296 = arith.index_cast %parallel_loop3A_295 : i32 to index
      %parallel_loop3A_297 = arith.constant 64 : index
      %parallel_loop3A_298 = tpu.vector_load %arg8[%parallel_loop3A_296, %parallel_loop3A_297] {strides = array<i32>} : memref<400x128xf32, #tpu.memory_space<vmem>>, vector<16xf32>,
      %parallel_loop3A_299 = arith.addf %parallel_loop3A_266, %parallel_loop3A_298 : vector<16xf32>
      %parallel_loop3A_300 = arith.constant 200 : i32
      %parallel_loop3A_301 = arith.addi %parallel_loop3A_300, %parallel_loop3A_261 : i32
      %parallel_loop3A_302 = arith.index_cast %parallel_loop3A_301 : i32 to index
      %parallel_loop3A_303 = arith.constant 80 : index
      %parallel_loop3A_304 = tpu.vector_load %arg8[%parallel_loop3A_302, %parallel_loop3A_303] {strides = array<i32>} : memref<400x128xf32, #tpu.memory_space<vmem>>, vector<16xf32>,
      %parallel_loop3A_305 = arith.addf %parallel_loop3A_267, %parallel_loop3A_304 : vector<16xf32>
      %parallel_loop3A_306 = arith.constant 200 : i32
      %parallel_loop3A_307 = arith.addi %parallel_loop3A_306, %parallel_loop3A_261 : i32
      %parallel_loop3A_308 = arith.index_cast %parallel_loop3A_307 : i32 to index
      %parallel_loop3A_309 = arith.constant 96 : index
      %parallel_loop3A_310 = tpu.vector_load %arg8[%parallel_loop3A_308, %parallel_loop3A_309] {strides = array<i32>} : memref<400x128xf32, #tpu.memory_space<vmem>>, vector<16xf32>,
      %parallel_loop3A_311 = arith.addf %parallel_loop3A_268, %parallel_loop3A_310 : vector<16xf32>
      %parallel_loop3A_312 = arith.constant 200 : i32
      %parallel_loop3A_313 = arith.addi %parallel_loop3A_312, %parallel_loop3A_261 : i32
      %parallel_loop3A_314 = arith.index_cast %parallel_loop3A_313 : i32 to index
      %parallel_loop3A_315 = arith.constant 112 : index
      %parallel_loop3A_316 = tpu.vector_load %arg8[%parallel_loop3A_314, %parallel_loop3A_315] {strides = array<i32>} : memref<400x128xf32, #tpu.memory_space<vmem>>, vector<16xf32>,
      %parallel_loop3A_317 = arith.addf %parallel_loop3A_269, %parallel_loop3A_316 : vector<16xf32>
      scf.yield %parallel_loop3A_275, %parallel_loop3A_281, %parallel_loop3A_287, %parallel_loop3A_293, %parallel_loop3A_299, %parallel_loop3A_305, %parallel_loop3A_311, %parallel_loop3A_317 : vector<16xf32>, vector<16xf32>, vector<16xf32>, vector<16xf32>, vector<16xf32>, vector<16xf32>, vector<16xf32>, vector<16xf32>
    } {sc.loop_unroll_factor = 4 : i64, sc.parallel_access}
    %get3A_203 = arith.constant 0 : index
    %get3A_204 = tpu.vector_load %arg9[%get3A_203] {strides = array<i32>} : memref<128xf32, #tpu.memory_space<vmem>>, vector<16xf32>,
    %mul3A_205 = arith.mulf %parallel_loop3A_202#0, %get3A_204 : vector<16xf32>
    %add3A_206 = arith.addf %broadcast_in_dim3A_166, %mul3A_205 : vector<16xf32>
    %get3A_207 = arith.constant 16 : index
    %get3A_208 = tpu.vector_load %arg9[%get3A_207] {strides = array<i32>} : memref<128xf32, #tpu.memory_space<vmem>>, vector<16xf32>,
    %mul3A_209 = arith.mulf %parallel_loop3A_202#1, %get3A_208 : vector<16xf32>
    %add3A_210 = arith.addf %add3A_206, %mul3A_209 : vector<16xf32>
    %get3A_211 = arith.constant 32 : index
    %get3A_212 = tpu.vector_load %arg9[%get3A_211] {strides = array<i32>} : memref<128xf32, #tpu.memory_space<vmem>>, vector<16xf32>,
    %mul3A_213 = arith.mulf %parallel_loop3A_202#2, %get3A_212 : vector<16xf32>
    %add3A_214 = arith.addf %add3A_210, %mul3A_213 : vector<16xf32>
    %get3A_215 = arith.constant 48 : index
    %get3A_216 = tpu.vector_load %arg9[%get3A_215] {strides = array<i32>} : memref<128xf32, #tpu.memory_space<vmem>>, vector<16xf32>,
    %mul3A_217 = arith.mulf %parallel_loop3A_202#3, %get3A_216 : vector<16xf32>
    %add3A_218 = arith.addf %add3A_214, %mul3A_217 : vector<16xf32>
    %get3A_219 = arith.constant 64 : index
    %get3A_220 = tpu.vector_load %arg9[%get3A_219] {strides = array<i32>} : memref<128xf32, #tpu.memory_space<vmem>>, vector<16xf32>,
    %mul3A_221 = arith.mulf %parallel_loop3A_202#4, %get3A_220 : vector<16xf32>
    %add3A_222 = arith.addf %add3A_218, %mul3A_221 : vector<16xf32>
    %get3A_223 = arith.constant 80 : index
    %get3A_224 = tpu.vector_load %arg9[%get3A_223] {strides = array<i32>} : memref<128xf32, #tpu.memory_space<vmem>>, vector<16xf32>,
    %mul3A_225 = arith.mulf %parallel_loop3A_202#5, %get3A_224 : vector<16xf32>
    %add3A_226 = arith.addf %add3A_222, %mul3A_225 : vector<16xf32>
    %get3A_227 = arith.constant 96 : index
    %get3A_228 = tpu.vector_load %arg9[%get3A_227] {strides = array<i32>} : memref<128xf32, #tpu.memory_space<vmem>>, vector<16xf32>,
    %mul3A_229 = arith.mulf %parallel_loop3A_202#6, %get3A_228 : vector<16xf32>
    %add3A_230 = arith.addf %add3A_226, %mul3A_229 : vector<16xf32>
    %get3A_231 = arith.constant 112 : index
    %get3A_232 = tpu.vector_load %arg9[%get3A_231] {strides = array<i32>} : memref<128xf32, #tpu.memory_space<vmem>>, vector<16xf32>,
    %mul3A_233 = arith.mulf %parallel_loop3A_202#7, %get3A_232 : vector<16xf32>
    %add3A_234 = arith.addf %add3A_230, %mul3A_233 : vector<16xf32>
    %reduce_sum3A_235 = arith.constant true
    %reduce_sum3A_236 = vector.broadcast %reduce_sum3A_235 : i1 to vector<16xi1>
    %reduce_sum3A_237 = tpu.scan <sum>, %add3A_234 masked %reduce_sum3A_236 : vector<16xf32>, vector<16xi1> -> vector<16xf32>
    %reduce_sum3A_238 = vector.extract %reduce_sum3A_237[15] : f32 from vector<16xf32>
    %mul3A_239 = arith.constant 5.000000e-03 : f32
    %mul3A_240 = arith.mulf %reduce_sum3A_238, %mul3A_239 : f32
    %broadcast_in_dim3A_241 = vector.broadcast %mul3A_240 : f32 to vector<16xf32>
    %get3A_242 = arith.constant 0 : index
    %get3A_243 = tpu.vector_load %arg10[%get3A_242] {strides = array<i32>} : memref<16xf32, #tpu.memory_space<vmem>>, vector<16xf32>,
    %add3A_244 = arith.addf %broadcast_in_dim3A_241, %get3A_243 : vector<16xf32>
    %neg3A_245 = arith.constant 0.000000e+00 : f32
    %neg3A_246 = vector.broadcast %neg3A_245 : f32 to vector<16xf32>
    %neg3A_247 = arith.subf %neg3A_246, %add3A_244 : vector<16xf32>
    %exp3A_248 = math.exp %neg3A_247 : vector<16xf32>
    %add3A_249 = arith.constant 1.000000e+00 : f32
    %add3A_250 = vector.broadcast %add3A_249 : f32 to vector<16xf32>
    %add3A_251 = arith.addf %add3A_250, %exp3A_248 : vector<16xf32>
    %div3A_252 = arith.constant 1.000000e+00 : f32
    %div3A_253 = vector.broadcast %div3A_252 : f32 to vector<16xf32>
    %div3A_254 = arith.divf %div3A_253, %add3A_251 : vector<16xf32>
    %swap3A_255 = arith.constant 1 : i32
    %swap3A_256 = arith.index_cast %swap3A_255 : i32 to index
    %swap3A_257 = arith.constant 0 : index
    %swap3A_258 = tpu.vector_load %arg11[%swap3A_256, %swap3A_257] {strides = array<i32>} : memref<2x16xf32, #tpu.memory_space<vmem>>, vector<16xf32>,
    tpu.vector_store %arg11[%swap3A_256, %swap3A_257], %div3A_254 {strides = array<i32>} : memref<2x16xf32, #tpu.memory_space<vmem>>, vector<16xf32>,
    %mul3A_259 = arith.constant 2 : i32
    %mul3A_260 = arith.muli %add3A, %mul3A_259 : i32
    "tpu.region"() ({
      %run_scoped3A = tpu.sem_alloc : memref<!tpu.dma_semaphore, #tpu.memory_space<semaphore_mem>>
      %dma_start3A_261 = arith.constant 0 : i32
      %dma_start3A_262 = tpu.memref_slice %arg6[%mul3A_260, %dma_start3A_261] : memref<64x16xf32, #tpu.memory_space<hbm>> -> memref<2x16xf32, #tpu.memory_space<hbm>>
      %dma_start3A_263 = arith.constant 0 : i32
      %dma_start3A_264 = tpu.memref_slice %arg6[%mul3A_260, %dma_start3A_263] : memref<64x16xf32, #tpu.memory_space<hbm>> -> memref<2x16xf32, #tpu.memory_space<hbm>>
      tpu.enqueue_dma source(%arg11 : memref<2x16xf32, #tpu.memory_space<vmem>>) target(%dma_start3A_264 : memref<2x16xf32, #tpu.memory_space<hbm>>) target_semaphore(%run_scoped3A : memref<!tpu.dma_semaphore, #tpu.memory_space<semaphore_mem>>)
      %dma_wait3A_265 = arith.constant 0 : i32
      %dma_wait3A_266 = tpu.memref_slice %arg6[%mul3A_260, %dma_wait3A_265] : memref<64x16xf32, #tpu.memory_space<hbm>> -> memref<2x16xf32, #tpu.memory_space<hbm>>
      %dma_wait3A_267 = arith.constant 0 : i32
      %dma_wait3A_268 = tpu.memref_slice %arg6[%mul3A_260, %dma_wait3A_267] : memref<64x16xf32, #tpu.memory_space<hbm>> -> memref<2x16xf32, #tpu.memory_space<hbm>>
      tpu.wait_dma2 semaphore(%run_scoped3A : memref<!tpu.dma_semaphore, #tpu.memory_space<semaphore_mem>>) src(%arg11 : memref<2x16xf32, #tpu.memory_space<vmem>>) dst(%dma_wait3A_268 : memref<2x16xf32, #tpu.memory_space<hbm>>)
      tpu.yield
    }) : () -> ()
    return
  }
}

</mosaic_0001>

<sc_bundles>
// kernel: kernel.3.cloned.1.call-start
scs
__scs_entry_jumppad:
0x0: {  	(pc) =	sbr.rel $0x88, $3  }
0x1: {  	(tag) =	ssettag $0x0;
	lr =	simm.s32 $0x1  }
0x2: {  	[smem:$0x3F9D] =	sst lr;
	_ =	strace $0xD0000000  }
0x3: {  	_ = 	snop  }
0x4: {  	_ = 	snop  }
0x5: {  	_ = 	snop  }
0x6: {  	_ = 	snop  }
0x7: {  	_ = 	snop  }
__scs_overlays_trampoline_lowered:
0x8: {  	[smem:$0x3FAC] =	sst s0  }
0x9: {  	[smem:$0x3FAD] =	sst s1  }
0xa: {  	[smem:$0x3FAE] =	sst s2  }
0xb: {  	[smem:$0x3FAF] =	sst s3  }
0xc: {  	[smem:$0x3FB0] =	sst s4  }
0xd: {  	[smem:$0x3FB1] =	sst s5  }
0xe: {  	[smem:$0x3FB2] =	sst s6  }
0xf: {  	[smem:$0x3FB3] =	sst s7  }
0x10: {  	[smem:$0x3FB4] =	sst s8  }
0x11: {  	[smem:$0x3FB5] =	sst s9;
	s0 =	simm.s32 @!p0 $0x0  }
0x12: {  	s1 =	sld [smem:$0x3F9B];
	s0 =	simm.s32 @p0 $0x1  }
0x13: {  	[smem:$0x3FB6] =	sst s0;
	s0 =	simm.s32 @!p1 $0x0  }
0x14: {  	s2 =	sld [smem:$0x3F9A];
	s0 =	simm.s32 @p1 $0x1  }
0x15: {  	[smem:$0x3FB7] =	sst s0;
	s0 =	simm.s32 @!p2 $0x0  }
0x16: {  	s3 =	sld [smem:$0x3FDB];
	s0 =	simm.s32 @p2 $0x1  }
0x17: {  	s4 =	simm.s32 $0x1BF5;
	[smem:$0x3FB9] =	sst s0  }
0x18: {  	s0 =	sld [smem:$0x3F9C];
	_ =	swait.ge [sflag:s4], $0x0  }
0x19: {  	s7 =	sld [smem:$0x3F9D]  }
0x1a: {  	s8 =	sadd.s32 $0xFFFFE003, lr  }
0x1b: {  	s9 =	sadd.s32 $0xFFFFFEF7, lr;
	s5 =	simm.s32 $0xFFFFFFFF;
	p2 =	slt.u32 s8, $0xFFFFF086  }
0x1c: {  	p1 =	slt.u32 s9, $0xF7A;
	s5 =	simm.s32 @!p2 $0x0  }
0x1d: {  	s5 =	simm.s32 @p1 $0x1;
	p0 =	seq.s32 s7, s2  }
0x1e: {  	s7 =	smul.u32 @!p0 $0xF7A, s2;
	p2 =	seq.s32 @!p0 s5, $0x0  }
0x1f: {  	s9 =	smul.u32 $0xF7A, s1;
	s8 =	simm.s32 @!p0 $0x1BF5;
	p2 =	por !p2, p0  }
0x20: {  	[sflag:s8] =	ssyncset.s32 @!p0 $0xFFFFF086;
	s6 =	sadd.s32 @!p0 s3, s7;
	s7 =	simm.s32 @!p0 $0x108  }
0x21: {  	s3 =	sadd.s32 s3, s9;
	s6 =	sadd.s32 @!p0 $0x88, s6;
	s7 =	simm.s32 @p2 $0x1082  }
0x22: {  	[simem:s7], [sflag:s8] =	dma.local @!p0 [hbm:s6], $0xF7A  }
0x23: {  	s9 =	sor.u32 $0xD0000000, s2;
	s6 =	simm.s32 $0x108;
	_ =	swait.ge @!p0 [sflag:s8], $0x0  }
0x24: {  	s3 =	sadd.s32 $0x88, s3;
	s6 =	simm.s32 @!p1 $0x1082;
	[sflag:s4] =	ssyncset.s32 $0xFFFFF086  }
0x25: {  	[simem:s6], [sflag:s4] =	dma.local [hbm:s3], $0xF7A  }
0x26: {  	[smem:$0x3F9D] =	sst s1;
	(tag) =	ssettag s2;
	_ =	strace s9  }
0x27: {  	s1 =	sld [smem:$0x3FAD]  }
0x28: {  	s2 =	sld [smem:$0x3FAE]  }
0x29: {  	s4 =	sld [smem:$0x3FB0]  }
0x2a: {  	p0 =	seq.s32 s5, $0x0;
	s5 =	sld [smem:$0x3FB1]  }
0x2b: {  	s6 =	sld [smem:$0x3FB2]  }
0x2c: {  	s7 =	sld [smem:$0x3FB3]  }
0x2d: {  	s3 =	simm.s32 $0x108;
	s8 =	sld [smem:$0x3FB4]  }
0x2e: {  	s3 =	simm.s32 @!p0 $0x1082;
	s9 =	sld [smem:$0x3FB5]  }
0x2f: {  	lr =	sadd.s32 s0, s3;
	s0 =	sld [smem:$0x3FAC]  }
0x30: {  	s3 =	sld [smem:$0x3FAF]  }
0x31: {  	[smem:$0x3FB8] =	sst s10  }
0x32: {  	s10 =	sld [smem:$0x3FB6];
	_ =	sdelay $0x3  }
0x33: {  	p0 =	seq.s32 s10, $0x1;
	s10 =	sld [smem:$0x3FB8];
	_ =	sdelay $0x3  }
0x34: {  	[smem:$0x3FB8] =	sst s10  }
0x35: {  	s10 =	sld [smem:$0x3FB7];
	_ =	sdelay $0x3  }
0x36: {  	p1 =	seq.s32 s10, $0x1;
	s10 =	sld [smem:$0x3FB8];
	_ =	sdelay $0x3  }
0x37: {  	[smem:$0x3FB8] =	sst s10  }
0x38: {  	s10 =	sld [smem:$0x3FB9]  }
0x39: {  	_ = 	snop;
	(pc) =	sbr.ind lr, $3  }
0x3a: {  	_ = 	snop  }
0x3b: {  	_ = 	snop  }
0x3c: {  	p2 =	seq.s32 s10, $0x1;
	s10 =	sld [smem:$0x3FB8]  }
0x3d: {  	_ =	shalt  }
0x3e: {  	_ =	shalt  }
0x3f: {  	_ =	shalt  }
0x40: {  	_ =	shalt  }
0x41: {  	_ =	shalt  }
0x42: {  	_ =	shalt  }
0x43: {  	_ =	shalt  }
0x44: {  	_ =	shalt  }
0x45: {  	_ =	shalt  }
0x46: {  	_ =	shalt  }
0x47: {  	_ =	shalt  }
0x48: {  	_ =	shalt  }
0x49: {  	_ =	shalt  }
0x4a: {  	_ =	shalt  }
0x4b: {  	_ =	shalt  }
0x4c: {  	_ =	shalt  }
0x4d: {  	_ =	shalt  }
0x4e: {  	_ =	shalt  }
0x4f: {  	_ =	shalt  }
0x50: {  	_ =	shalt  }
0x51: {  	_ =	shalt  }
0x52: {  	_ =	shalt  }
0x53: {  	_ =	shalt  }
0x54: {  	_ =	shalt  }
0x55: {  	_ =	shalt  }
0x56: {  	_ =	shalt  }
0x57: {  	_ =	shalt  }
0x58: {  	_ =	shalt  }
0x59: {  	_ =	shalt  }
0x5a: {  	_ =	shalt  }
0x5b: {  	_ =	shalt  }
0x5c: {  	_ =	shalt  }
0x5d: {  	_ =	shalt  }
0x5e: {  	_ =	shalt  }
0x5f: {  	_ =	shalt  }
0x60: {  	_ =	shalt  }
0x61: {  	_ =	shalt  }
0x62: {  	_ =	shalt  }
0x63: {  	_ =	shalt  }
0x64: {  	_ =	shalt  }
0x65: {  	_ =	shalt  }
0x66: {  	_ =	shalt  }
0x67: {  	_ =	shalt  }
0x68: {  	_ =	shalt  }
0x69: {  	_ =	shalt  }
0x6a: {  	_ =	shalt  }
0x6b: {  	_ =	shalt  }
0x6c: {  	_ =	shalt  }
0x6d: {  	_ =	shalt  }
0x6e: {  	_ =	shalt  }
0x6f: {  	_ =	shalt  }
0x70: {  	_ =	shalt  }
0x71: {  	_ =	shalt  }
0x72: {  	_ =	shalt  }
0x73: {  	_ =	shalt  }
0x74: {  	_ =	shalt  }
0x75: {  	_ =	shalt  }
0x76: {  	_ =	shalt  }
0x77: {  	_ =	shalt  }
0x78: {  	_ =	shalt  }
0x79: {  	_ =	shalt  }
0x7a: {  	_ =	shalt  }
0x7b: {  	_ =	shalt  }
0x7c: {  	_ =	shalt  }
0x7d: {  	_ =	shalt  }
0x7e: {  	_ =	shalt  }
0x7f: {  	_ =	shalt  }
0x80: {  	_ =	shalt  }
0x81: {  	_ =	shalt  }
0x82: {  	_ =	shalt  }
0x83: {  	_ =	shalt  }
0x84: {  	_ =	shalt  }
0x85: {  	_ =	shalt  }
0x86: {  	_ =	shalt  }
0x87: {  	_ =	shalt  }
.Lfunc_end0:
.L_simem_size_0:
called_computation_lowered:
.L_overlay_start_0:
0x88: {  	s2 =	sld [smem:$0x3FD9]  }
0x89: {  	s3 =	sld [smem:$0x3FFE];
	_ =	sdelay $0x1  }
0x8a: {  	s1 =	srdreg.scid  }
0x8b: {  	s0 =	sand.u32 $0x1, s1  }
0x8c: {  	s17 =	sshll.u32 s0, $0xA;
	s2 =	sadd.s32 s3, s2  }
0x8d: {  	s2 =	sadd.s32 s2, s17  }
0x8e: {  	[smem:$0x3FC4] =	sst s2  }
0x8f: {  	_ = 	snop  }
0x90: {  	s2 =	sld [smem:$0x3FC8]  }
0x91: {  	s18 =	sld [smem:$0x3FC7];
	(tm) =	ssettm $0x1  }
0x92: {  	s4 =	sld [smem:$0x3FFB];
	_ =	sdelay $0x3  }
0x93: {  	_ =	strace s4  }
0x94: {  	s4 =	sld [smem:$0x3FFC];
	_ =	sdelay $0x3  }
0x95: {  	_ =	strace s4  }
0x96: {  	s4 =	sld [smem:$0x3FFD];
	_ =	sdelay $0x3  }
0x97: {  	_ =	strace s4  }
0x98: {  	_ =	strace $0x8FFFFFFF  }
0x99: {  	s19 =	sld [smem:$0x3FDB];
	_ =	sdelay $0x1  }
0x9a: {  	s5 =	simm.s32 $_scs_section_size  }
0x9b: {  	s6 =	simm.s32 $_size__tile_overlayer_lowered;
	s7 =	simm.s32 $_tile_overlayer_lowered  }
0x9c: {  	s22 =	simm.s32 $0x1BFF;
	s21 =	sshll.u32 s7, $0x1;
	s4 =	sadd.s32 s5, s19  }
0x9d: {  	s8 =	simm.s32 $0x0;
	s20 =	sshll.u32 s6, $0x1;
	s6 =	sadd.s32 s21, s4  }
0x9e: {  	[timem:s8], [sflag:s22] =	dma.local [hbm:s6], s20  }
0x9f: {  	_ =	swait.ge [sflag:s22], s20  }
0xa0: {  	s5 =	ssub.s32 $0x0, s20;
	[sflag:s22] =	ssyncset.done $0x0  }
0xa1: {  	[sflag:s22] =	ssyncadd.s32 s5;
	_ =	sdelay $0x1  }
0xa2: {  	s23 =	simm.s32 $0x1B8B  }
0xa3: {  	_ =	swait.ge [sflag:s23], $0x1  }
0xa4: {  	[sflag:s23] =	ssyncset.done $0x0  }
0xa5: {  	s25 =	simm.s32 $0x1B8E;
	s24 =	sld [smem:$0x3FFE];
	[sflag:s23] =	ssyncadd.s32 $0xFFFFFFFF  }
0xa6: {  	s26 =	simm.s32 $execute0_lowered;
	[smem:$0x3FD2] =	sst s25  }
0xa7: {  	s6 =	sshll.u32 s26, $0x1;
	_ =	strace $0x80000046;
	[dreg:$0x1] =	wrdreg $0xFFFFFFFF  }
0xa8: {  	s28 =	simm.s32 $_size_execute0_lowered;
	s4 =	sadd.s32 s4, s6;
	[dreg:$0x0] =	wrdreg $0x0  }
0xa9: {  	s6 =	sshll.u32 s28, $0x1;
	[dreg:$0x2] =	wrdreg s4  }
0xaa: {  	[dreg:$0x3] =	wrdreg s6  }
0xab: {  	[dreg:$0x4] =	wrdreg $0xC0  }
0xac: {  	_ =	task [dreg:s8], $0x5FFFF  }
0xad: {  	[dreg:$0x1] =	wrdreg $0xFFFFFFFF  }
0xae: {  	[dreg:$0x0] =	wrdreg $0x60  }
0xaf: {  	[dreg:$0x2] =	wrdreg s24  }
0xb0: {  	[dreg:$0x3] =	wrdreg s2  }
0xb1: {  	[dreg:$0x4] =	wrdreg s18  }
0xb2: {  	[dreg:$0x5] =	wrdreg $0x9  }
0xb3: {  	_ =	task.clear_ibuf [dreg:s8], $0x6FFFF;
	_ =	strace $0x90000046  }
0xb4: {  	s29 =	simm.s32 $0x9;
	_ =	strace $0x80000048  }
0xb5: {  	_ =	swait.ge [sflag:s29], $0x1  }
0xb6: {  	[sflag:s29] =	ssyncadd.s32 $0xFFFFFFFF  }
0xb7: {  	_ =	strace $0x90000048  }
0xb8: {  	_ =	sfence  }
0xb9: {  	s30 =	sld [smem:$0x0];
	_ =	sdelay $0x2  }
0xba: {  	s31 =	sshll.u32 s1, $0xD;
	s1 =	sshrl.u32 s1, $0x2  }
0xbb: {  	s3 =	sand.u32 $0x4000, s31;
	s1 =	sadd.s32 s1, s30  }
0xbc: {  	s0 =	sor.u32 s3, s0;
	s1 =	sshll.u32 s1, $0x11  }
0xbd: {  	s0 =	sor.u32 s1, s0  }
0xbe: {  	s0 =	sadd.s32 $0x8F2B, s0  }
0xbf: {  	[sflag:s0] =	ssyncadd.remote.s32 $0x1  }
0xc0: {  	_ =	sfence.sel $0xFFFF  }
0xc1: {  	[dreg:$0x0] =	wrdreg $0xFFFFFFFF;
	(pc) =	sbr.abs _section_cstart, $3  }
0xc2: {  	[dreg:$0x1] =	wrdreg $0xFFFFFFFF  }
0xc3: {  	_ =	task.clear_ibuf [dreg:s8], $0x2FFFF;
	_ =	strace $0x9FFFFFFF  }
0xc4: {  	(tm) =	ssettm $0x7FFFFFFF  }
0xc5: {  	_ =	shalt  }
tec
execute0_lowered:
.L_overlay_start_1:
0x0: {  	(tag) =	ssettag $0x1  }
0x1: {  	s0 =	rddreg [dreg:$0x0]  }
0x2: {  	s2 =	rddreg [dreg:$0x1]  }
0x3: {  	s3 =	rddreg [dreg:$0x2];
	s1 =	srdreg.scid  }
0x4: {  	s5 =	stileid.u32;
	s4 =	simm.s32 $0x0;
	s10 =	simm.s32 $0xCA00  }
0x5: {  	s11 =	simm.s32 $0xCA80;
	s12 =	simm.s32 $0xC8;
	s13 =	simm.s32 $0x1  }
0x6: {  	s14 =	simm.s32 $0x20;
	s15 =	simm.s32 $0x200;
	s16 =	simm.s32 $0x60  }
0x7: {  	s17 =	simm.s32 $0x1200;
	s18 =	simm.s32 $0x48;
	s19 =	simm.s32 $0x80  }
0x8: {  	s20 =	simm.s32 $0x4200;
	s21 =	simm.s32 $0x2;
	s22 =	simm.s32 $0x6600  }
0x9: {  	s23 =	simm.s32 $0xE8;
	s24 =	simm.s32 $0x7600;
	s25 =	simm.s32 $0x148  }
0xa: {  	s28 =	simm.s32 $0x3;
	s29 =	simm.s32 $0xCB00;
	s30 =	simm.s32 $0x4  }
0xb: {  	s1 =	sand.u32 $0x1, s1;
	s5 =	sshll.u32 s5, $0x1;
	[smem:$0x7FF] =	sst s4  }
0xc: {  	s31 =	simm.s32 $0x0;
	s5 =	sor.u32 s1, s5;
	_ =	strace $0x80000047  }
0xd: {  	s1 =	ssub.s32 $0x2, s1;
	s6 =	sshll.u32 s5, $0x5;
	s7 =	smul.u32 $0x190, s5  }
0xe: {  	s5 =	sadd.s32 $0x800, s0;
	s26 =	sshrl.u32 s1, $0x1;
	s8 =	sadd.s32 s6, s0  }
0xf: {  	s1 =	ssub.s32 s1, s26;
	s9 =	sshrl.u32 s7, $0x3;
	s7 =	sadd.s32 $0xC8, s7  }
0x10: {  	s26 =	simm.s32 $0xA600;
	s8 =	sadd.s32 $0xA00, s8;
	s7 =	sshrl.u32 s7, $0x3  }
0x11: {  	s6 =	sadd.s32 s0, s9;
	s9 =	smax.u32 s1, $0x1;
	s7 =	sadd.s32 s0, s7  }
.LBB2_1:
0x12: {  	[tilespmem:s10], [sflag:$0x3] =	stream.linear.gather [hbm4b:s3+s4], $0x80, $0x38;
	[tilespmem:$0xCC00] =	vst v63  }
0x13: {  	_ = 	snop  }
0x14: {  	[tilespmem:s11], [sflag:$0x3] =	stream.linear.gather [hbm4b:s5+s4], $0x80, $0x38;
	[tilespmem:$0xCC00] =	vst v63  }
0x15: {  	_ = 	snop  }
0x16: {  	[tilespmem:s4], [sflag:$0x1] =	stream.linear.gather [hbm4b:s6+s4], $0xC8, $0x38;
	[tilespmem:$0xCC00] =	vst v63  }
0x17: {  	_ = 	snop  }
0x18: {  	[tilespmem:s12], [sflag:$0x2] =	stream.linear.gather [hbm4b:s7+s4], $0xC8, $0x38;
	[tilespmem:$0xCC00] =	vst v63  }
0x19: {  	_ =	swait.ge [sflag:s13], $0xC8  }
0x1a: {  	[sflag:s13] =	ssyncset.done $0x0  }
0x1b: {  	[sflag:s13] =	ssyncadd.s32 $0xFFFFFF38  }
0x1c: {  	[tilespmem:s15], [sflag:$0x1] =	stream.indirect.gather [hbm4b:s2+s14], $0x80, s4, s14, $0xb8;
	[tilespmem:$0xCC00] =	vst v63  }
0x1d: {  	_ = 	snop  }
0x1e: {  	[tilespmem:s17], [sflag:$0x1] =	stream.indirect.gather [hbm4b:s2+s16], $0x80, s14, s16, $0xb8;
	[tilespmem:$0xCC00] =	vst v63  }
0x1f: {  	_ = 	snop  }
0x20: {  	[tilespmem:s20], [sflag:$0x1] =	stream.indirect.gather [hbm4b:s2+s18], $0x80, s19, s18, $0xb8;
	[tilespmem:$0xCC00] =	vst v63  }
0x21: {  	_ =	swait.ge [sflag:s21], $0xC8  }
0x22: {  	[sflag:s21] =	ssyncset.done $0x0  }
0x23: {  	[sflag:s21] =	ssyncadd.s32 $0xFFFFFF38  }
0x24: {  	[tilespmem:s22], [sflag:$0x2] =	stream.indirect.gather [hbm4b:s2+s14], $0x80, s12, s14, $0xb8;
	[tilespmem:$0xCC00] =	vst v63  }
0x25: {  	_ = 	snop  }
0x26: {  	[tilespmem:s24], [sflag:$0x2] =	stream.indirect.gather [hbm4b:s2+s16], $0x80, s23, s16, $0xb8;
	[tilespmem:$0xCC00] =	vst v63  }
0x27: {  	_ = 	snop  }
0x28: {  	[tilespmem:s26], [sflag:$0x2] =	stream.indirect.gather [hbm4b:s2+s18], $0x80, s25, s18, $0xb8;
	[tilespmem:$0xCC00] =	vst v63  }
0x29: {  	_ =	swait.ge [sflag:s28], $0x80  }
0x2a: {  	[sflag:s28] =	ssyncset.done $0x0  }
0x2b: {  	[sflag:s28] =	ssyncadd.s32 $0xFFFFFF80  }
0x2c: {  	_ =	swait.ge [sflag:s28], $0x80  }
0x2d: {  	[sflag:s28] =	ssyncset.done $0x0  }
0x2e: {  	[sflag:s28] =	ssyncadd.s32 $0xFFFFFF80  }
0x2f: {  	_ =	swait.ge [sflag:s13], $0x1000  }
0x30: {  	[sflag:s13] =	ssyncset.done $0x0  }
0x31: {  	s1 =	simm.s32 $0x300;
	[sflag:s13] =	ssyncadd.s32 $0xFFFFF000  }
0x32: {  	v0 =	vld [tilespmem:s1+$0x80]  }
0x33: {  	v1 =	vld [tilespmem:s1+$0x90]  }
0x34: {  	v4 =	vld [tilespmem:s1+$0xA0]  }
0x35: {  	v5 =	vld [tilespmem:s1+$0xB0]  }
0x36: {  	v2 =	vld [tilespmem:s1+$0xC0]  }
0x37: {  	v3 =	vld [tilespmem:s1+$0xD0]  }
0x38: {  	v8 =	vld [tilespmem:s1+$0x0]  }
0x39: {  	v9 =	vld [tilespmem:s1+$0x10]  }
0x3a: {  	v10 =	vld [tilespmem:s1+$0x20]  }
0x3b: {  	v11 =	vld [tilespmem:s1+$0x30]  }
0x3c: {  	v6 =	vld [tilespmem:s1+$0x40]  }
0x3d: {  	v7 =	vld [tilespmem:s1+$0x50]  }
0x3e: {  	v12 =	vld [tilespmem:s1+$0xFFFFFF80]  }
0x3f: {  	v13 =	vld [tilespmem:s1+$0xFFFFFF90]  }
0x40: {  	v14 =	vld [tilespmem:s1+$0xFFFFFF00]  }
0x41: {  	v15 =	vld [tilespmem:s1+$0xFFFFFF10]  }
0x42: {  	v16 =	vld [tilespmem:s1+$0xFFFFFF20]  }
0x43: {  	v17 =	vld [tilespmem:s1+$0xFFFFFF30]  }
0x44: {  	v18 =	vld [tilespmem:s1+$0xFFFFFFA0]  }
0x45: {  	v19 =	vld [tilespmem:s1+$0xFFFFFFB0]  }
0x46: {  	v20 =	vimm.f32 $0.0e+00;
	v21 =	vld [tilespmem:s1+$0xFFFFFFC0]  }
0x47: {  	v22 =	vld [tilespmem:s1+$0xFFFFFFD0];
	v14 =	vadd.f32 v14, v20;
	v15 =	vadd.f32 v15, v20  }
0x48: {  	v23 =	vld [tilespmem:s1+$0xFFFFFF40];
	v16 =	vadd.f32 v16, v20;
	v17 =	vadd.f32 v17, v20  }
0x49: {  	v24 =	vld [tilespmem:s1+$0xFFFFFF50];
	v12 =	vadd.f32 v12, v14;
	v13 =	vadd.f32 v13, v15  }
0x4a: {  	v14 =	vld [tilespmem:s1+$0xFFFFFF60];
	v15 =	vadd.f32 v18, v16;
	v16 =	vadd.f32 v19, v17  }
0x4b: {  	v17 =	vld [tilespmem:s1+$0xFFFFFF70];
	v8 =	vadd.f32 v8, v12;
	v9 =	vadd.f32 v9, v13  }
0x4c: {  	v12 =	vld [tilespmem:s1+$0xFFFFFFE0];
	v10 =	vadd.f32 v10, v15;
	v11 =	vadd.f32 v11, v16  }
0x4d: {  	v15 =	vld [tilespmem:s1+$0xFFFFFFF0];
	v8 =	vadd.f32 v0, v8;
	v9 =	vadd.f32 v1, v9  }
0x4e: {  	v13 =	vld [tilespmem:s1+$0x60];
	v10 =	vadd.f32 v4, v10;
	v11 =	vadd.f32 v5, v11  }
0x4f: {  	v16 =	vld [tilespmem:s1+$0x70];
	v0 =	vadd.f32 v23, v20;
	v1 =	vadd.f32 v24, v20  }
0x50: {  	v18 =	vadd.f32 v14, v20;
	v19 =	vadd.f32 v17, v20;
	v14 =	vld [tilespmem:s1+$0xE0]  }
0x51: {  	s0 =	simm.s32 $0x0;
	v17 =	vld [tilespmem:s1+$0xF0];
	s1 =	simm.s32 $0x500;
	v20 =	vadd.f32 v21, v0;
	v21 =	vadd.f32 v22, v1  }
.LBB2_2:
0x52: {  	v0 =	vld [tilespmem:s1+$0x80];
	v1 =	vadd.f32 v12, v18;
	v4 =	vadd.f32 v15, v19  }
0x53: {  	v5 =	vld [tilespmem:s1+$0x90];
	v6 =	vadd.f32 v6, v20;
	v7 =	vadd.f32 v7, v21  }
0x54: {  	v18 =	vld [tilespmem:s1+$0xA0];
	v1 =	vadd.f32 v13, v1;
	v4 =	vadd.f32 v16, v4  }
0x55: {  	v16 =	vld [tilespmem:s1+$0xB0];
	v19 =	vadd.f32 v2, v6;
	v20 =	vadd.f32 v3, v7  }
0x56: {  	v2 =	vld [tilespmem:s1+$0xC0];
	v1 =	vadd.f32 v14, v1;
	v4 =	vadd.f32 v17, v4  }
0x57: {  	v3 =	vld [tilespmem:s1+$0xD0]  }
0x58: {  	v12 =	vld [tilespmem:s1+$0x0]  }
0x59: {  	v13 =	vld [tilespmem:s1+$0x10]  }
0x5a: {  	v14 =	vld [tilespmem:s1+$0x20]  }
0x5b: {  	v15 =	vld [tilespmem:s1+$0x30]  }
0x5c: {  	v6 =	vld [tilespmem:s1+$0x40]  }
0x5d: {  	v7 =	vld [tilespmem:s1+$0x50]  }
0x5e: {  	v17 =	vld [tilespmem:s1+$0xFFFFFF80]  }
0x5f: {  	v21 =	vld [tilespmem:s1+$0xFFFFFF90]  }
0x60: {  	v22 =	vld [tilespmem:s1+$0xFFFFFF00]  }
0x61: {  	v23 =	vld [tilespmem:s1+$0xFFFFFF10]  }
0x62: {  	v24 =	vld [tilespmem:s1+$0xFFFFFF20]  }
0x63: {  	v25 =	vld [tilespmem:s1+$0xFFFFFF30]  }
0x64: {  	v26 =	vld [tilespmem:s1+$0xFFFFFFA0]  }
0x65: {  	v27 =	vld [tilespmem:s1+$0xFFFFFFB0]  }
0x66: {  	v28 =	vld [tilespmem:s1+$0xFFFFFFC0]  }
0x67: {  	v8 =	vadd.f32 v22, v8;
	v9 =	vadd.f32 v23, v9;
	v22 =	vld [tilespmem:s1+$0xFFFFFFD0]  }
0x68: {  	v10 =	vadd.f32 v24, v10;
	v11 =	vadd.f32 v25, v11;
	v23 =	vld [tilespmem:s1+$0xFFFFFF40]  }
0x69: {  	v8 =	vadd.f32 v17, v8;
	v9 =	vadd.f32 v21, v9;
	v24 =	vld [tilespmem:s1+$0xFFFFFF50]  }
0x6a: {  	v10 =	vadd.f32 v26, v10;
	v17 =	vld [tilespmem:s1+$0xFFFFFF60];
	v11 =	vadd.f32 v27, v11  }
0x6b: {  	s0 =	sadd.s32 $0x4, s0;
	v8 =	vadd.f32 v12, v8;
	v9 =	vadd.f32 v13, v9;
	v21 =	vld [tilespmem:s1+$0xFFFFFF70]  }
0x6c: {  	p0 =	slt.u32 s0, $0x1C;
	v10 =	vadd.f32 v14, v10;
	v12 =	vld [tilespmem:s1+$0xFFFFFFE0];
	v11 =	vadd.f32 v15, v11  }
.Ltmp0:
0x6d: {  	v8 =	vadd.f32 v0, v8;
	v9 =	vadd.f32 v5, v9;
	v15 =	vld [tilespmem:s1+$0xFFFFFFF0];
	(pc) =	sbr.rel @p0 .LBB2_2-.Ltmp0, $4  }
0x6e: {  	v10 =	vadd.f32 v18, v10;
	v13 =	vld [tilespmem:s1+$0x60];
	v11 =	vadd.f32 v16, v11  }
0x6f: {  	v0 =	vadd.f32 v23, v19;
	v5 =	vadd.f32 v24, v20;
	v16 =	vld [tilespmem:s1+$0x70]  }
0x70: {  	v18 =	vadd.f32 v17, v1;
	v19 =	vadd.f32 v21, v4;
	v14 =	vld [tilespmem:s1+$0xE0]  }
0x71: {  	v20 =	vadd.f32 v28, v0;
	v21 =	vadd.f32 v22, v5;
	v17 =	vld [tilespmem:s1+$0xF0];
	s1 =	sadd.s32 $0x200, s1  }
0x72: {  	_ =	swait.ge [sflag:s13], $0x3000  }
0x73: {  	[sflag:s13] =	ssyncset.done $0x0  }
0x74: {  	s1 =	simm.s32 $0x13F0;
	[sflag:s13] =	ssyncadd.s32 $0xFFFFD000  }
0x75: {  	v22 =	vld [tilespmem:s1+$0xFFFFFF90]  }
0x76: {  	v23 =	vld [tilespmem:s1+$0xFFFFFFA0]  }
0x77: {  	v24 =	vld [tilespmem:s1+$0xFFFFFFB0]  }
0x78: {  	v25 =	vld [tilespmem:s1+$0xFFFFFFC0]  }
0x79: {  	v0 =	vld [tilespmem:s1+$0xFFFFFFD0]  }
0x7a: {  	v1 =	vld [tilespmem:s1+$0xFFFFFFE0]  }
0x7b: {  	v26 =	vld [tilespmem:s1+$0xFFFFFF10]  }
0x7c: {  	v27 =	vld [tilespmem:s1+$0xFFFFFF20]  }
0x7d: {  	v28 =	vld [tilespmem:s1+$0xFFFFFF30]  }
0x7e: {  	v29 =	vld [tilespmem:s1+$0xFFFFFF40]  }
0x7f: {  	v4 =	vld [tilespmem:s1+$0xFFFFFF50]  }
0x80: {  	v5 =	vld [tilespmem:s1+$0xFFFFFF60]  }
0x81: {  	v30 =	vld [tilespmem:s1+$0xFFFFFE90]  }
0x82: {  	v31 =	vld [tilespmem:s1+$0xFFFFFEA0]  }
0x83: {  	v32 =	vld [tilespmem:s1+$0xFFFFFE10]  }
0x84: {  	v33 =	vld [tilespmem:s1+$0xFFFFFE20]  }
0x85: {  	v12 =	vadd.f32 v12, v18;
	v15 =	vadd.f32 v15, v19;
	v18 =	vld [tilespmem:s1+$0xFFFFFE30]  }
0x86: {  	v6 =	vadd.f32 v6, v20;
	v7 =	vadd.f32 v7, v21;
	v19 =	vld [tilespmem:s1+$0xFFFFFE40]  }
0x87: {  	v12 =	vadd.f32 v13, v12;
	v13 =	vadd.f32 v16, v15;
	v16 =	vld [tilespmem:s1+$0xFFFFFE50]  }
0x88: {  	v15 =	vld [tilespmem:s1+$0xFFFFFEB0];
	v2 =	vadd.f32 v2, v6;
	v3 =	vadd.f32 v3, v7  }
0x89: {  	v6 =	vld [tilespmem:s1+$0xFFFFFEC0];
	v7 =	vadd.f32 v14, v12;
	v14 =	vadd.f32 v17, v13  }
0x8a: {  	v20 =	vld [tilespmem:s1+$0xFFFFFE80];
	v8 =	vadd.f32 v32, v8;
	v9 =	vadd.f32 v33, v9  }
0x8b: {  	v10 =	vadd.f32 v18, v10;
	v11 =	vadd.f32 v19, v11;
	v18 =	vld [tilespmem:s1+$0xFFFFFE60]  }
0x8c: {  	v19 =	vld [tilespmem:s1+$0xFFFFFE70];
	v2 =	vadd.f32 v16, v2;
	v8 =	vadd.f32 v30, v8  }
0x8d: {  	v17 =	vld [tilespmem:s1+$0xFFFFFED0];
	v9 =	vadd.f32 v31, v9;
	v10 =	vadd.f32 v15, v10  }
0x8e: {  	v21 =	vld [tilespmem:s1+$0xFFFFFEE0];
	v6 =	vadd.f32 v6, v11;
	v8 =	vadd.f32 v26, v8  }
0x8f: {  	v12 =	vld [tilespmem:s1+$0xFFFFFEF0];
	v9 =	vadd.f32 v27, v9;
	v10 =	vadd.f32 v28, v10  }
0x90: {  	v15 =	vld [tilespmem:s1+$0xFFFFFF00];
	v6 =	vadd.f32 v29, v6;
	v3 =	vadd.f32 v18, v3  }
0x91: {  	v13 =	vld [tilespmem:s1+$0xFFFFFF70];
	v18 =	vadd.f32 v19, v7;
	v19 =	vadd.f32 v20, v14  }
0x92: {  	v16 =	vld [tilespmem:s1+$0xFFFFFF80];
	v20 =	vadd.f32 v17, v2;
	v8 =	vadd.f32 v22, v8  }
0x93: {  	v14 =	vld [tilespmem:s1+$0xFFFFFFF0];
	v9 =	vadd.f32 v23, v9;
	v10 =	vadd.f32 v24, v10  }
0x94: {  	s0 =	simm.s32 $0x20;
	v17 =	vld [tilespmem:s1+$0x0];
	s1 =	simm.s32 $0x15F0;
	v11 =	vadd.f32 v25, v6;
	v21 =	vadd.f32 v21, v3  }
.LBB2_4:
0x95: {  	v2 =	vld [tilespmem:s1+$0xFFFFFF90];
	v3 =	vadd.f32 v12, v18;
	v6 =	vadd.f32 v15, v19  }
0x96: {  	v7 =	vld [tilespmem:s1+$0xFFFFFFA0];
	v4 =	vadd.f32 v4, v20;
	v5 =	vadd.f32 v5, v21  }
0x97: {  	v18 =	vld [tilespmem:s1+$0xFFFFFFB0];
	v3 =	vadd.f32 v13, v3;
	v6 =	vadd.f32 v16, v6  }
0x98: {  	v16 =	vld [tilespmem:s1+$0xFFFFFFC0];
	v19 =	vadd.f32 v0, v4;
	v20 =	vadd.f32 v1, v5  }
0x99: {  	v0 =	vld [tilespmem:s1+$0xFFFFFFD0];
	v3 =	vadd.f32 v14, v3;
	v6 =	vadd.f32 v17, v6  }
0x9a: {  	v1 =	vld [tilespmem:s1+$0xFFFFFFE0]  }
0x9b: {  	v12 =	vld [tilespmem:s1+$0xFFFFFF10]  }
0x9c: {  	v13 =	vld [tilespmem:s1+$0xFFFFFF20]  }
0x9d: {  	v14 =	vld [tilespmem:s1+$0xFFFFFF30]  }
0x9e: {  	v15 =	vld [tilespmem:s1+$0xFFFFFF40]  }
0x9f: {  	v4 =	vld [tilespmem:s1+$0xFFFFFF50]  }
0xa0: {  	v5 =	vld [tilespmem:s1+$0xFFFFFF60]  }
0xa1: {  	v17 =	vld [tilespmem:s1+$0xFFFFFE90]  }
0xa2: {  	v21 =	vld [tilespmem:s1+$0xFFFFFEA0]  }
0xa3: {  	v22 =	vld [tilespmem:s1+$0xFFFFFE10]  }
0xa4: {  	v23 =	vld [tilespmem:s1+$0xFFFFFE20]  }
0xa5: {  	v24 =	vld [tilespmem:s1+$0xFFFFFE30]  }
0xa6: {  	v25 =	vld [tilespmem:s1+$0xFFFFFE40]  }
0xa7: {  	v26 =	vld [tilespmem:s1+$0xFFFFFEB0]  }
0xa8: {  	v27 =	vld [tilespmem:s1+$0xFFFFFEC0]  }
0xa9: {  	v28 =	vld [tilespmem:s1+$0xFFFFFED0]  }
0xaa: {  	v8 =	vadd.f32 v22, v8;
	v9 =	vadd.f32 v23, v9;
	v22 =	vld [tilespmem:s1+$0xFFFFFEE0]  }
0xab: {  	v10 =	vadd.f32 v24, v10;
	v11 =	vadd.f32 v25, v11;
	v23 =	vld [tilespmem:s1+$0xFFFFFE50]  }
0xac: {  	v8 =	vadd.f32 v17, v8;
	v9 =	vadd.f32 v21, v9;
	v24 =	vld [tilespmem:s1+$0xFFFFFE60]  }
0xad: {  	v10 =	vadd.f32 v26, v10;
	v17 =	vld [tilespmem:s1+$0xFFFFFE70];
	v11 =	vadd.f32 v27, v11  }
0xae: {  	s0 =	sadd.s32 $0x4, s0;
	v8 =	vadd.f32 v12, v8;
	v9 =	vadd.f32 v13, v9;
	v21 =	vld [tilespmem:s1+$0xFFFFFE80]  }
0xaf: {  	p0 =	slt.u32 s0, $0x7C;
	v10 =	vadd.f32 v14, v10;
	v12 =	vld [tilespmem:s1+$0xFFFFFEF0];
	v11 =	vadd.f32 v15, v11  }
.Ltmp1:
0xb0: {  	v8 =	vadd.f32 v2, v8;
	v9 =	vadd.f32 v7, v9;
	v15 =	vld [tilespmem:s1+$0xFFFFFF00];
	(pc) =	sbr.rel @p0 .LBB2_4-.Ltmp1, $4  }
0xb1: {  	v10 =	vadd.f32 v18, v10;
	v13 =	vld [tilespmem:s1+$0xFFFFFF70];
	v11 =	vadd.f32 v16, v11  }
0xb2: {  	v2 =	vadd.f32 v23, v19;
	v7 =	vadd.f32 v24, v20;
	v16 =	vld [tilespmem:s1+$0xFFFFFF80]  }
0xb3: {  	v18 =	vadd.f32 v17, v3;
	v19 =	vadd.f32 v21, v6;
	v14 =	vld [tilespmem:s1+$0xFFFFFFF0]  }
0xb4: {  	v20 =	vadd.f32 v28, v2;
	v21 =	vadd.f32 v22, v7;
	v17 =	vld [tilespmem:s1+$0x0];
	s1 =	sadd.s32 $0x200, s1  }
0xb5: {  	_ =	swait.ge [sflag:s13], $0x2400  }
0xb6: {  	[sflag:s13] =	ssyncset.done $0x0  }
0xb7: {  	s1 =	simm.s32 $0x4200;
	[sflag:s13] =	ssyncadd.s32 $0xFFFFDC00  }
0xb8: {  	v22 =	vld [tilespmem:s1+$0x180]  }
0xb9: {  	v23 =	vld [tilespmem:s1+$0x190]  }
0xba: {  	v24 =	vld [tilespmem:s1+$0x1A0]  }
0xbb: {  	v25 =	vld [tilespmem:s1+$0x1B0]  }
0xbc: {  	v3 =	vld [tilespmem:s1+$0x1C0]  }
0xbd: {  	v2 =	vld [tilespmem:s1+$0x1D0]  }
0xbe: {  	v26 =	vld [tilespmem:s1+$0x100]  }
0xbf: {  	v27 =	vld [tilespmem:s1+$0x110]  }
0xc0: {  	v28 =	vld [tilespmem:s1+$0x120]  }
0xc1: {  	v29 =	vld [tilespmem:s1+$0x130]  }
0xc2: {  	v7 =	vld [tilespmem:s1+$0x140]  }
0xc3: {  	v6 =	vld [tilespmem:s1+$0x150]  }
0xc4: {  	v30 =	vld [tilespmem:s1+$0x80]  }
0xc5: {  	v31 =	vld [tilespmem:s1+$0x90]  }
0xc6: {  	v12 =	vadd.f32 v12, v18;
	v32 =	vld [tilespmem:s1+$0x0]  }
0xc7: {  	v33 =	vld [tilespmem:s1+$0x10]  }
0xc8: {  	v15 =	vadd.f32 v15, v19;
	v12 =	vadd.f32 v13, v12;
	v18 =	vld [tilespmem:s1+$0x20]  }
0xc9: {  	v4 =	vadd.f32 v4, v20;
	v5 =	vadd.f32 v5, v21;
	v19 =	vld [tilespmem:s1+$0x30]  }
0xca: {  	v13 =	vadd.f32 v16, v15;
	v14 =	vadd.f32 v14, v12;
	v12 =	vld [tilespmem:s1+$0x50]  }
0xcb: {  	v15 =	vld [tilespmem:s1+$0xA0];
	v16 =	vadd.f32 v0, v4  }
0xcc: {  	v62 =	vadd.f32 v1, v5;
	v0 =	vld [tilespmem:s1+$0xB0];
	v13 =	vadd.f32 v17, v13  }
0xcd: {  	v63 =	vld [tilespmem:s1+$0xD0];
	v1 =	vadd.f32 v32, v8;
	v4 =	vadd.f32 v33, v9  }
0xce: {  	v5 =	vadd.f32 v18, v10;
	v8 =	vadd.f32 v19, v11;
	v11 =	vld [tilespmem:s1+$0x40]  }
0xcf: {  	v17 =	vld [tilespmem:s1+$0xC0];
	v20 =	vadd.f32 v12, v62;
	v1 =	vadd.f32 v30, v1  }
0xd0: {  	v18 =	vld [tilespmem:s1+$0x60];
	v4 =	vadd.f32 v31, v4;
	v5 =	vadd.f32 v15, v5  }
0xd1: {  	v19 =	vld [tilespmem:s1+$0x70];
	v0 =	vadd.f32 v0, v8;
	v1 =	vadd.f32 v26, v1  }
0xd2: {  	v10 =	vld [tilespmem:s1+$0xF0];
	v4 =	vadd.f32 v27, v4;
	v15 =	vadd.f32 v28, v5  }
0xd3: {  	v8 =	vld [tilespmem:s1+$0xE0];
	v0 =	vadd.f32 v29, v0;
	v16 =	vadd.f32 v11, v16  }
0xd4: {  	v9 =	vld [tilespmem:s1+$0x160];
	v5 =	vadd.f32 v22, v1;
	v4 =	vadd.f32 v23, v4  }
0xd5: {  	v12 =	vld [tilespmem:s1+$0x170];
	v1 =	vadd.f32 v24, v15;
	v0 =	vadd.f32 v25, v0  }
0xd6: {  	v11 =	vld [tilespmem:s1+$0x1E0];
	v15 =	vadd.f32 v18, v14;
	v14 =	vadd.f32 v19, v13  }
0xd7: {  	s0 =	simm.s32 $0x80;
	v13 =	vld [tilespmem:s1+$0x1F0];
	s1 =	simm.s32 $0x4400;
	v17 =	vadd.f32 v17, v16;
	v16 =	vadd.f32 v63, v20  }
.LBB2_6:
0xd8: {  	v18 =	vld [tilespmem:s1+$0x180];
	v8 =	vadd.f32 v8, v15;
	v10 =	vadd.f32 v10, v14  }
0xd9: {  	v14 =	vld [tilespmem:s1+$0x190];
	v7 =	vadd.f32 v7, v17;
	v6 =	vadd.f32 v6, v16  }
0xda: {  	v15 =	vld [tilespmem:s1+$0x1A0];
	v8 =	vadd.f32 v9, v8;
	v9 =	vadd.f32 v12, v10  }
0xdb: {  	v12 =	vld [tilespmem:s1+$0x1B0];
	v16 =	vadd.f32 v3, v7;
	v17 =	vadd.f32 v2, v6  }
0xdc: {  	v3 =	vld [tilespmem:s1+$0x1C0];
	v11 =	vadd.f32 v11, v8;
	v13 =	vadd.f32 v13, v9  }
0xdd: {  	v2 =	vld [tilespmem:s1+$0x1D0]  }
0xde: {  	v8 =	vld [tilespmem:s1+$0x100]  }
0xdf: {  	v9 =	vld [tilespmem:s1+$0x110]  }
0xe0: {  	v10 =	vld [tilespmem:s1+$0x120]  }
0xe1: {  	v19 =	vld [tilespmem:s1+$0x130]  }
0xe2: {  	v7 =	vld [tilespmem:s1+$0x140]  }
0xe3: {  	v6 =	vld [tilespmem:s1+$0x150]  }
0xe4: {  	v20 =	vld [tilespmem:s1+$0x80]  }
0xe5: {  	v21 =	vld [tilespmem:s1+$0x90]  }
0xe6: {  	v22 =	vld [tilespmem:s1+$0x0]  }
0xe7: {  	v23 =	vld [tilespmem:s1+$0x10]  }
0xe8: {  	v24 =	vld [tilespmem:s1+$0x20]  }
0xe9: {  	v25 =	vld [tilespmem:s1+$0x30]  }
0xea: {  	v26 =	vld [tilespmem:s1+$0xA0]  }
0xeb: {  	v27 =	vld [tilespmem:s1+$0xB0]  }
0xec: {  	v28 =	vld [tilespmem:s1+$0xC0]  }
0xed: {  	v5 =	vadd.f32 v22, v5;
	v4 =	vadd.f32 v23, v4;
	v22 =	vld [tilespmem:s1+$0xD0]  }
0xee: {  	v1 =	vadd.f32 v24, v1;
	v0 =	vadd.f32 v25, v0;
	v23 =	vld [tilespmem:s1+$0x40]  }
0xef: {  	v5 =	vadd.f32 v20, v5;
	v4 =	vadd.f32 v21, v4;
	v24 =	vld [tilespmem:s1+$0x50]  }
0xf0: {  	v1 =	vadd.f32 v26, v1;
	v20 =	vld [tilespmem:s1+$0x60];
	v0 =	vadd.f32 v27, v0  }
0xf1: {  	s0 =	sadd.s32 $0x4, s0;
	v5 =	vadd.f32 v8, v5;
	v4 =	vadd.f32 v9, v4;
	v21 =	vld [tilespmem:s1+$0x70]  }
0xf2: {  	p0 =	slt.u32 s0, $0xC4;
	v1 =	vadd.f32 v10, v1;
	v8 =	vld [tilespmem:s1+$0xE0];
	v0 =	vadd.f32 v19, v0  }
.Ltmp2:
0xf3: {  	v5 =	vadd.f32 v18, v5;
	v4 =	vadd.f32 v14, v4;
	v10 =	vld [tilespmem:s1+$0xF0];
	(pc) =	sbr.rel @p0 .LBB2_6-.Ltmp2, $4  }
0xf4: {  	v1 =	vadd.f32 v15, v1;
	v9 =	vld [tilespmem:s1+$0x160];
	v0 =	vadd.f32 v12, v0  }
0xf5: {  	v16 =	vadd.f32 v23, v16;
	v18 =	vadd.f32 v24, v17;
	v12 =	vld [tilespmem:s1+$0x170]  }
0xf6: {  	v15 =	vadd.f32 v20, v11;
	v14 =	vadd.f32 v21, v13;
	v11 =	vld [tilespmem:s1+$0x1E0]  }
0xf7: {  	v17 =	vadd.f32 v28, v16;
	v16 =	vadd.f32 v22, v18;
	v13 =	vld [tilespmem:s1+$0x1F0];
	s1 =	sadd.s32 $0x200, s1  }
0xf8: {  	v18 =	vld [tilespmem:$0xCA00];
	_ =	sdelay $0x1  }
0xf9: {  	v19 =	vld [tilespmem:$0xCA10];
	_ =	sdelay $0x1  }
0xfa: {  	v20 =	vld [tilespmem:$0xCA20]  }
0xfb: {  	v5 =	vmul.f32 v18, v5  }
0xfc: {  	v18 =	vld [tilespmem:$0xCA30]  }
0xfd: {  	v4 =	vmul.f32 v19, v4;
	v5 =	vadd.f32 $0.0e+00, v5  }
0xfe: {  	v19 =	vld [tilespmem:$0xCA40]  }
0xff: {  	v7 =	vadd.f32 v7, v17;
	v1 =	vmul.f32 v20, v1;
	v4 =	vadd.f32 v4, v5  }
0x100: {  	v6 =	vadd.f32 v6, v16;
	v5 =	vadd.f32 v8, v15;
	v8 =	vld [tilespmem:$0xCA50]  }
0x101: {  	v3 =	vadd.f32 v3, v7;
	v0 =	vmul.f32 v18, v0;
	v1 =	vadd.f32 v1, v4  }
0x102: {  	v7 =	vld [tilespmem:$0xCA60];
	v2 =	vadd.f32 v2, v6;
	v4 =	vadd.f32 v10, v14  }
0x103: {  	v5 =	vadd.f32 v9, v5;
	v0 =	vadd.f32 v0, v1;
	v1 =	vmul.f32 v19, v3  }
0x104: {  	v3 =	vadd.f32 v12, v4;
	v4 =	vld [tilespmem:$0xCA70]  }
0x105: {  	v5 =	vadd.f32 v11, v5;
	v0 =	vadd.f32 v1, v0;
	v1 =	vmul.f32 v8, v2;
	_ =	sdelay $0x1  }
0x106: {  	v2 =	vadd.f32 v13, v3;
	v0 =	vadd.f32 v1, v0;
	v1 =	vmul.f32 v7, v5;
	_ =	sdelay $0x1  }
0x107: {  	v0 =	vadd.f32 v1, v0;
	v1 =	vmul.f32 v4, v2;
	_ =	sdelay $0x1  }
0x108: {  	v0 =	vadd.f32 v1, v0;
	_ =	sdelay $0x1  }
0x109: {  	(xrf2) =	vadd.scan.msk.f32 $0xffff, v0;
	_ =	sdelay $0x9  }
0x10a: {  	v0, _, _ =	vpop (xrf2)  }
0x10b: {  	(v2sf) =	vpush v0, $0xF;
	_ =	sdelay $0xc  }
0x10c: {  	v0 =	vld [tilespmem:$0xCA80];
	_ =	sdelay $0x1  }
0x10d: {  	s0 =	spop (v2sf)  }
0x10e: {  	s0 =	smul.f32 $4.999999890e-03, s0;
	_ =	sdelay $0x1  }
0x10f: {  	v0 =	vadd.f32 s0, v0;
	_ =	sdelay $0x1  }
0x110: {  	v0 =	vsub.f32 $0.0e+00, v0;
	_ =	sdelay $0x1  }
0x111: {  	v0 =	vmul.f32 $1.442695020e+00, v0;
	_ =	sdelay $0x1  }
0x112: {  	(erf) = vpow2.f32 v0;
	_ =	sdelay $0x8  }
0x113: {  	v0 =	vpop (erf)  }
0x114: {  	v0 =	vadd.f32 $1.000000000e+00, v0;
	_ =	sdelay $0x1  }
0x115: {  	(erf) = vrcp.f32 v0;
	_ =	sdelay $0x8  }
0x116: {  	v0 =	vpop (erf)  }
0x117: {  	[tilespmem:$0xCB00] =	vst v0  }
0x118: {  	_ =	swait.ge [sflag:s21], $0x1000  }
0x119: {  	[sflag:s21] =	ssyncset.done $0x0  }
0x11a: {  	s1 =	simm.s32 $0x6600;
	[sflag:s21] =	ssyncadd.s32 $0xFFFFF000  }
0x11b: {  	v0 =	vld [tilespmem:s1+$0x180]  }
0x11c: {  	v1 =	vld [tilespmem:s1+$0x190]  }
0x11d: {  	v4 =	vld [tilespmem:s1+$0x1A0]  }
0x11e: {  	v5 =	vld [tilespmem:s1+$0x1B0]  }
0x11f: {  	v2 =	vld [tilespmem:s1+$0x1C0]  }
0x120: {  	v3 =	vld [tilespmem:s1+$0x1D0]  }
0x121: {  	v8 =	vld [tilespmem:s1+$0x100]  }
0x122: {  	v9 =	vld [tilespmem:s1+$0x110]  }
0x123: {  	v10 =	vld [tilespmem:s1+$0x120]  }
0x124: {  	v11 =	vld [tilespmem:s1+$0x130]  }
0x125: {  	v6 =	vld [tilespmem:s1+$0x140]  }
0x126: {  	v7 =	vld [tilespmem:s1+$0x150]  }
0x127: {  	v12 =	vld [tilespmem:s1+$0x80]  }
0x128: {  	v13 =	vld [tilespmem:s1+$0x90]  }
0x129: {  	v14 =	vld [tilespmem:s1+$0x0]  }
0x12a: {  	v15 =	vld [tilespmem:s1+$0x10]  }
0x12b: {  	v16 =	vld [tilespmem:s1+$0x20]  }
0x12c: {  	v17 =	vld [tilespmem:s1+$0x30]  }
0x12d: {  	v18 =	vld [tilespmem:s1+$0xA0]  }
0x12e: {  	v19 =	vld [tilespmem:s1+$0xB0]  }
0x12f: {  	v20 =	vimm.f32 $0.0e+00;
	v21 =	vld [tilespmem:s1+$0xC0]  }
0x130: {  	v22 =	vld [tilespmem:s1+$0xD0];
	v14 =	vadd.f32 v14, v20;
	v15 =	vadd.f32 v15, v20  }
0x131: {  	v23 =	vld [tilespmem:s1+$0x40];
	v16 =	vadd.f32 v16, v20;
	v17 =	vadd.f32 v17, v20  }
0x132: {  	v24 =	vld [tilespmem:s1+$0x50];
	v12 =	vadd.f32 v12, v14;
	v13 =	vadd.f32 v13, v15  }
0x133: {  	v14 =	vld [tilespmem:s1+$0x60];
	v15 =	vadd.f32 v18, v16;
	v16 =	vadd.f32 v19, v17  }
0x134: {  	v17 =	vld [tilespmem:s1+$0x70];
	v8 =	vadd.f32 v8, v12;
	v9 =	vadd.f32 v9, v13  }
0x135: {  	v12 =	vld [tilespmem:s1+$0xE0];
	v10 =	vadd.f32 v10, v15;
	v11 =	vadd.f32 v11, v16  }
0x136: {  	v15 =	vld [tilespmem:s1+$0xF0];
	v8 =	vadd.f32 v0, v8;
	v9 =	vadd.f32 v1, v9  }
0x137: {  	v13 =	vld [tilespmem:s1+$0x160];
	v10 =	vadd.f32 v4, v10;
	v11 =	vadd.f32 v5, v11  }
0x138: {  	v16 =	vld [tilespmem:s1+$0x170];
	v0 =	vadd.f32 v23, v20;
	v1 =	vadd.f32 v24, v20  }
0x139: {  	v18 =	vadd.f32 v14, v20;
	v19 =	vadd.f32 v17, v20;
	v14 =	vld [tilespmem:s1+$0x1E0]  }
0x13a: {  	s0 =	simm.s32 $0x0;
	v17 =	vld [tilespmem:s1+$0x1F0];
	s1 =	simm.s32 $0x6800;
	v20 =	vadd.f32 v21, v0;
	v21 =	vadd.f32 v22, v1  }
.LBB2_8:
0x13b: {  	v0 =	vld [tilespmem:s1+$0x180];
	v1 =	vadd.f32 v12, v18;
	v4 =	vadd.f32 v15, v19  }
0x13c: {  	v5 =	vld [tilespmem:s1+$0x190];
	v6 =	vadd.f32 v6, v20;
	v7 =	vadd.f32 v7, v21  }
0x13d: {  	v18 =	vld [tilespmem:s1+$0x1A0];
	v1 =	vadd.f32 v13, v1;
	v4 =	vadd.f32 v16, v4  }
0x13e: {  	v16 =	vld [tilespmem:s1+$0x1B0];
	v19 =	vadd.f32 v2, v6;
	v20 =	vadd.f32 v3, v7  }
0x13f: {  	v2 =	vld [tilespmem:s1+$0x1C0];
	v1 =	vadd.f32 v14, v1;
	v4 =	vadd.f32 v17, v4  }
0x140: {  	v3 =	vld [tilespmem:s1+$0x1D0]  }
0x141: {  	v12 =	vld [tilespmem:s1+$0x100]  }
0x142: {  	v13 =	vld [tilespmem:s1+$0x110]  }
0x143: {  	v14 =	vld [tilespmem:s1+$0x120]  }
0x144: {  	v15 =	vld [tilespmem:s1+$0x130]  }
0x145: {  	v6 =	vld [tilespmem:s1+$0x140]  }
0x146: {  	v7 =	vld [tilespmem:s1+$0x150]  }
0x147: {  	v17 =	vld [tilespmem:s1+$0x80]  }
0x148: {  	v21 =	vld [tilespmem:s1+$0x90]  }
0x149: {  	v22 =	vld [tilespmem:s1+$0x0]  }
0x14a: {  	v23 =	vld [tilespmem:s1+$0x10]  }
0x14b: {  	v24 =	vld [tilespmem:s1+$0x20]  }
0x14c: {  	v25 =	vld [tilespmem:s1+$0x30]  }
0x14d: {  	v26 =	vld [tilespmem:s1+$0xA0]  }
0x14e: {  	v27 =	vld [tilespmem:s1+$0xB0]  }
0x14f: {  	v28 =	vld [tilespmem:s1+$0xC0]  }
0x150: {  	v8 =	vadd.f32 v22, v8;
	v9 =	vadd.f32 v23, v9;
	v22 =	vld [tilespmem:s1+$0xD0]  }
0x151: {  	v10 =	vadd.f32 v24, v10;
	v11 =	vadd.f32 v25, v11;
	v23 =	vld [tilespmem:s1+$0x40]  }
0x152: {  	v8 =	vadd.f32 v17, v8;
	v9 =	vadd.f32 v21, v9;
	v24 =	vld [tilespmem:s1+$0x50]  }
0x153: {  	v10 =	vadd.f32 v26, v10;
	v17 =	vld [tilespmem:s1+$0x60];
	v11 =	vadd.f32 v27, v11  }
0x154: {  	s0 =	sadd.s32 $0x4, s0;
	v8 =	vadd.f32 v12, v8;
	v9 =	vadd.f32 v13, v9;
	v21 =	vld [tilespmem:s1+$0x70]  }
0x155: {  	p0 =	slt.u32 s0, $0x1C;
	v10 =	vadd.f32 v14, v10;
	v12 =	vld [tilespmem:s1+$0xE0];
	v11 =	vadd.f32 v15, v11  }
.Ltmp3:
0x156: {  	v8 =	vadd.f32 v0, v8;
	v9 =	vadd.f32 v5, v9;
	v15 =	vld [tilespmem:s1+$0xF0];
	(pc) =	sbr.rel @p0 .LBB2_8-.Ltmp3, $4  }
0x157: {  	v10 =	vadd.f32 v18, v10;
	v13 =	vld [tilespmem:s1+$0x160];
	v11 =	vadd.f32 v16, v11  }
0x158: {  	v0 =	vadd.f32 v23, v19;
	v5 =	vadd.f32 v24, v20;
	v16 =	vld [tilespmem:s1+$0x170]  }
0x159: {  	v18 =	vadd.f32 v17, v1;
	v19 =	vadd.f32 v21, v4;
	v14 =	vld [tilespmem:s1+$0x1E0]  }
0x15a: {  	v20 =	vadd.f32 v28, v0;
	v21 =	vadd.f32 v22, v5;
	v17 =	vld [tilespmem:s1+$0x1F0];
	s1 =	sadd.s32 $0x200, s1  }
0x15b: {  	_ =	swait.ge [sflag:s21], $0x3000  }
0x15c: {  	[sflag:s21] =	ssyncset.done $0x0  }
0x15d: {  	s1 =	simm.s32 $0x7600;
	[sflag:s21] =	ssyncadd.s32 $0xFFFFD000  }
0x15e: {  	v22 =	vld [tilespmem:s1+$0x180]  }
0x15f: {  	v23 =	vld [tilespmem:s1+$0x190]  }
0x160: {  	v24 =	vld [tilespmem:s1+$0x1A0]  }
0x161: {  	v25 =	vld [tilespmem:s1+$0x1B0]  }
0x162: {  	v0 =	vld [tilespmem:s1+$0x1C0]  }
0x163: {  	v1 =	vld [tilespmem:s1+$0x1D0]  }
0x164: {  	v26 =	vld [tilespmem:s1+$0x100]  }
0x165: {  	v27 =	vld [tilespmem:s1+$0x110]  }
0x166: {  	v28 =	vld [tilespmem:s1+$0x120]  }
0x167: {  	v29 =	vld [tilespmem:s1+$0x130]  }
0x168: {  	v4 =	vld [tilespmem:s1+$0x140]  }
0x169: {  	v5 =	vld [tilespmem:s1+$0x150]  }
0x16a: {  	v30 =	vld [tilespmem:s1+$0x80]  }
0x16b: {  	v31 =	vld [tilespmem:s1+$0x90]  }
0x16c: {  	v32 =	vld [tilespmem:s1+$0x0]  }
0x16d: {  	v33 =	vld [tilespmem:s1+$0x10]  }
0x16e: {  	v12 =	vadd.f32 v12, v18;
	v15 =	vadd.f32 v15, v19;
	v18 =	vld [tilespmem:s1+$0x20]  }
0x16f: {  	v6 =	vadd.f32 v6, v20;
	v7 =	vadd.f32 v7, v21;
	v19 =	vld [tilespmem:s1+$0x30]  }
0x170: {  	v12 =	vadd.f32 v13, v12;
	v13 =	vadd.f32 v16, v15;
	v16 =	vld [tilespmem:s1+$0x40]  }
0x171: {  	v15 =	vld [tilespmem:s1+$0xA0];
	v2 =	vadd.f32 v2, v6;
	v3 =	vadd.f32 v3, v7  }
0x172: {  	v6 =	vld [tilespmem:s1+$0xB0];
	v7 =	vadd.f32 v14, v12;
	v14 =	vadd.f32 v17, v13  }
0x173: {  	v20 =	vld [tilespmem:s1+$0x70];
	v8 =	vadd.f32 v32, v8;
	v9 =	vadd.f32 v33, v9  }
0x174: {  	v10 =	vadd.f32 v18, v10;
	v11 =	vadd.f32 v19, v11;
	v18 =	vld [tilespmem:s1+$0x50]  }
0x175: {  	v19 =	vld [tilespmem:s1+$0x60];
	v2 =	vadd.f32 v16, v2;
	v8 =	vadd.f32 v30, v8  }
0x176: {  	v17 =	vld [tilespmem:s1+$0xC0];
	v9 =	vadd.f32 v31, v9;
	v10 =	vadd.f32 v15, v10  }
0x177: {  	v21 =	vld [tilespmem:s1+$0xD0];
	v6 =	vadd.f32 v6, v11;
	v8 =	vadd.f32 v26, v8  }
0x178: {  	v12 =	vld [tilespmem:s1+$0xE0];
	v9 =	vadd.f32 v27, v9;
	v10 =	vadd.f32 v28, v10  }
0x179: {  	v15 =	vld [tilespmem:s1+$0xF0];
	v6 =	vadd.f32 v29, v6;
	v3 =	vadd.f32 v18, v3  }
0x17a: {  	v13 =	vld [tilespmem:s1+$0x160];
	v18 =	vadd.f32 v19, v7;
	v19 =	vadd.f32 v20, v14  }
0x17b: {  	v16 =	vld [tilespmem:s1+$0x170];
	v20 =	vadd.f32 v17, v2;
	v8 =	vadd.f32 v22, v8  }
0x17c: {  	v14 =	vld [tilespmem:s1+$0x1E0];
	v9 =	vadd.f32 v23, v9;
	v10 =	vadd.f32 v24, v10  }
0x17d: {  	s0 =	simm.s32 $0x20;
	v17 =	vld [tilespmem:s1+$0x1F0];
	s1 =	simm.s32 $0x7800;
	v11 =	vadd.f32 v25, v6;
	v21 =	vadd.f32 v21, v3  }
.LBB2_10:
0x17e: {  	v2 =	vld [tilespmem:s1+$0x180];
	v3 =	vadd.f32 v12, v18;
	v6 =	vadd.f32 v15, v19  }
0x17f: {  	v7 =	vld [tilespmem:s1+$0x190];
	v4 =	vadd.f32 v4, v20;
	v5 =	vadd.f32 v5, v21  }
0x180: {  	v18 =	vld [tilespmem:s1+$0x1A0];
	v3 =	vadd.f32 v13, v3;
	v6 =	vadd.f32 v16, v6  }
0x181: {  	v16 =	vld [tilespmem:s1+$0x1B0];
	v19 =	vadd.f32 v0, v4;
	v20 =	vadd.f32 v1, v5  }
0x182: {  	v0 =	vld [tilespmem:s1+$0x1C0];
	v3 =	vadd.f32 v14, v3;
	v6 =	vadd.f32 v17, v6  }
0x183: {  	v1 =	vld [tilespmem:s1+$0x1D0]  }
0x184: {  	v12 =	vld [tilespmem:s1+$0x100]  }
0x185: {  	v13 =	vld [tilespmem:s1+$0x110]  }
0x186: {  	v14 =	vld [tilespmem:s1+$0x120]  }
0x187: {  	v15 =	vld [tilespmem:s1+$0x130]  }
0x188: {  	v4 =	vld [tilespmem:s1+$0x140]  }
0x189: {  	v5 =	vld [tilespmem:s1+$0x150]  }
0x18a: {  	v17 =	vld [tilespmem:s1+$0x80]  }
0x18b: {  	v21 =	vld [tilespmem:s1+$0x90]  }
0x18c: {  	v22 =	vld [tilespmem:s1+$0x0]  }
0x18d: {  	v23 =	vld [tilespmem:s1+$0x10]  }
0x18e: {  	v24 =	vld [tilespmem:s1+$0x20]  }
0x18f: {  	v25 =	vld [tilespmem:s1+$0x30]  }
0x190: {  	v26 =	vld [tilespmem:s1+$0xA0]  }
0x191: {  	v27 =	vld [tilespmem:s1+$0xB0]  }
0x192: {  	v28 =	vld [tilespmem:s1+$0xC0]  }
0x193: {  	v8 =	vadd.f32 v22, v8;
	v9 =	vadd.f32 v23, v9;
	v22 =	vld [tilespmem:s1+$0xD0]  }
0x194: {  	v10 =	vadd.f32 v24, v10;
	v11 =	vadd.f32 v25, v11;
	v23 =	vld [tilespmem:s1+$0x40]  }
0x195: {  	v8 =	vadd.f32 v17, v8;
	v9 =	vadd.f32 v21, v9;
	v24 =	vld [tilespmem:s1+$0x50]  }
0x196: {  	v10 =	vadd.f32 v26, v10;
	v17 =	vld [tilespmem:s1+$0x60];
	v11 =	vadd.f32 v27, v11  }
0x197: {  	s0 =	sadd.s32 $0x4, s0;
	v8 =	vadd.f32 v12, v8;
	v9 =	vadd.f32 v13, v9;
	v21 =	vld [tilespmem:s1+$0x70]  }
0x198: {  	p0 =	slt.u32 s0, $0x7C;
	v10 =	vadd.f32 v14, v10;
	v12 =	vld [tilespmem:s1+$0xE0];
	v11 =	vadd.f32 v15, v11  }
.Ltmp4:
0x199: {  	v8 =	vadd.f32 v2, v8;
	v9 =	vadd.f32 v7, v9;
	v15 =	vld [tilespmem:s1+$0xF0];
	(pc) =	sbr.rel @p0 .LBB2_10-.Ltmp4, $4  }
0x19a: {  	v10 =	vadd.f32 v18, v10;
	v13 =	vld [tilespmem:s1+$0x160];
	v11 =	vadd.f32 v16, v11  }
0x19b: {  	v2 =	vadd.f32 v23, v19;
	v7 =	vadd.f32 v24, v20;
	v16 =	vld [tilespmem:s1+$0x170]  }
0x19c: {  	v18 =	vadd.f32 v17, v3;
	v19 =	vadd.f32 v21, v6;
	v14 =	vld [tilespmem:s1+$0x1E0]  }
0x19d: {  	v20 =	vadd.f32 v28, v2;
	v21 =	vadd.f32 v22, v7;
	v17 =	vld [tilespmem:s1+$0x1F0];
	s1 =	sadd.s32 $0x200, s1  }
0x19e: {  	_ =	swait.ge [sflag:s21], $0x2400  }
0x19f: {  	[sflag:s21] =	ssyncset.done $0x0  }
0x1a0: {  	s1 =	simm.s32 $0xA600;
	[sflag:s21] =	ssyncadd.s32 $0xFFFFDC00  }
0x1a1: {  	v22 =	vld [tilespmem:s1+$0x180]  }
0x1a2: {  	v23 =	vld [tilespmem:s1+$0x190]  }
0x1a3: {  	v24 =	vld [tilespmem:s1+$0x1A0]  }
0x1a4: {  	v25 =	vld [tilespmem:s1+$0x1B0]  }
0x1a5: {  	v3 =	vld [tilespmem:s1+$0x1C0]  }
0x1a6: {  	v2 =	vld [tilespmem:s1+$0x1D0]  }
0x1a7: {  	v26 =	vld [tilespmem:s1+$0x100]  }
0x1a8: {  	v27 =	vld [tilespmem:s1+$0x110]  }
0x1a9: {  	v28 =	vld [tilespmem:s1+$0x120]  }
0x1aa: {  	v29 =	vld [tilespmem:s1+$0x130]  }
0x1ab: {  	v7 =	vld [tilespmem:s1+$0x140]  }
0x1ac: {  	v6 =	vld [tilespmem:s1+$0x150]  }
0x1ad: {  	v30 =	vld [tilespmem:s1+$0x80]  }
0x1ae: {  	v31 =	vld [tilespmem:s1+$0x90]  }
0x1af: {  	v12 =	vadd.f32 v12, v18;
	v32 =	vld [tilespmem:s1+$0x0]  }
0x1b0: {  	v33 =	vld [tilespmem:s1+$0x10]  }
0x1b1: {  	v15 =	vadd.f32 v15, v19;
	v12 =	vadd.f32 v13, v12;
	v18 =	vld [tilespmem:s1+$0x20]  }
0x1b2: {  	v4 =	vadd.f32 v4, v20;
	v5 =	vadd.f32 v5, v21;
	v19 =	vld [tilespmem:s1+$0x30]  }
0x1b3: {  	v13 =	vadd.f32 v16, v15;
	v14 =	vadd.f32 v14, v12;
	v12 =	vld [tilespmem:s1+$0x50]  }
0x1b4: {  	v15 =	vld [tilespmem:s1+$0xA0];
	v16 =	vadd.f32 v0, v4  }
0x1b5: {  	v62 =	vadd.f32 v1, v5;
	v0 =	vld [tilespmem:s1+$0xB0];
	v13 =	vadd.f32 v17, v13  }
0x1b6: {  	v63 =	vld [tilespmem:s1+$0xD0];
	v1 =	vadd.f32 v32, v8;
	v4 =	vadd.f32 v33, v9  }
0x1b7: {  	v5 =	vadd.f32 v18, v10;
	v8 =	vadd.f32 v19, v11;
	v11 =	vld [tilespmem:s1+$0x40]  }
0x1b8: {  	v17 =	vld [tilespmem:s1+$0xC0];
	v20 =	vadd.f32 v12, v62;
	v1 =	vadd.f32 v30, v1  }
0x1b9: {  	v18 =	vld [tilespmem:s1+$0x60];
	v4 =	vadd.f32 v31, v4;
	v5 =	vadd.f32 v15, v5  }
0x1ba: {  	v19 =	vld [tilespmem:s1+$0x70];
	v0 =	vadd.f32 v0, v8;
	v1 =	vadd.f32 v26, v1  }
0x1bb: {  	v10 =	vld [tilespmem:s1+$0xF0];
	v4 =	vadd.f32 v27, v4;
	v15 =	vadd.f32 v28, v5  }
0x1bc: {  	v8 =	vld [tilespmem:s1+$0xE0];
	v0 =	vadd.f32 v29, v0;
	v16 =	vadd.f32 v11, v16  }
0x1bd: {  	v9 =	vld [tilespmem:s1+$0x160];
	v5 =	vadd.f32 v22, v1;
	v4 =	vadd.f32 v23, v4  }
0x1be: {  	v12 =	vld [tilespmem:s1+$0x170];
	v1 =	vadd.f32 v24, v15;
	v0 =	vadd.f32 v25, v0  }
0x1bf: {  	v11 =	vld [tilespmem:s1+$0x1E0];
	v15 =	vadd.f32 v18, v14;
	v14 =	vadd.f32 v19, v13  }
0x1c0: {  	s0 =	simm.s32 $0x80;
	v13 =	vld [tilespmem:s1+$0x1F0];
	s1 =	simm.s32 $0xA800;
	v17 =	vadd.f32 v17, v16;
	v16 =	vadd.f32 v63, v20  }
.LBB2_12:
0x1c1: {  	v18 =	vld [tilespmem:s1+$0x180];
	v8 =	vadd.f32 v8, v15;
	v10 =	vadd.f32 v10, v14  }
0x1c2: {  	v14 =	vld [tilespmem:s1+$0x190];
	v7 =	vadd.f32 v7, v17;
	v6 =	vadd.f32 v6, v16  }
0x1c3: {  	v15 =	vld [tilespmem:s1+$0x1A0];
	v8 =	vadd.f32 v9, v8;
	v9 =	vadd.f32 v12, v10  }
0x1c4: {  	v12 =	vld [tilespmem:s1+$0x1B0];
	v16 =	vadd.f32 v3, v7;
	v17 =	vadd.f32 v2, v6  }
0x1c5: {  	v3 =	vld [tilespmem:s1+$0x1C0];
	v11 =	vadd.f32 v11, v8;
	v13 =	vadd.f32 v13, v9  }
0x1c6: {  	v2 =	vld [tilespmem:s1+$0x1D0]  }
0x1c7: {  	v8 =	vld [tilespmem:s1+$0x100]  }
0x1c8: {  	v9 =	vld [tilespmem:s1+$0x110]  }
0x1c9: {  	v10 =	vld [tilespmem:s1+$0x120]  }
0x1ca: {  	v19 =	vld [tilespmem:s1+$0x130]  }
0x1cb: {  	v7 =	vld [tilespmem:s1+$0x140]  }
0x1cc: {  	v6 =	vld [tilespmem:s1+$0x150]  }
0x1cd: {  	v20 =	vld [tilespmem:s1+$0x80]  }
0x1ce: {  	v21 =	vld [tilespmem:s1+$0x90]  }
0x1cf: {  	v22 =	vld [tilespmem:s1+$0x0]  }
0x1d0: {  	v23 =	vld [tilespmem:s1+$0x10]  }
0x1d1: {  	v24 =	vld [tilespmem:s1+$0x20]  }
0x1d2: {  	v25 =	vld [tilespmem:s1+$0x30]  }
0x1d3: {  	v26 =	vld [tilespmem:s1+$0xA0]  }
0x1d4: {  	v27 =	vld [tilespmem:s1+$0xB0]  }
0x1d5: {  	v28 =	vld [tilespmem:s1+$0xC0]  }
0x1d6: {  	v5 =	vadd.f32 v22, v5;
	v4 =	vadd.f32 v23, v4;
	v22 =	vld [tilespmem:s1+$0xD0]  }
0x1d7: {  	v1 =	vadd.f32 v24, v1;
	v0 =	vadd.f32 v25, v0;
	v23 =	vld [tilespmem:s1+$0x40]  }
0x1d8: {  	v5 =	vadd.f32 v20, v5;
	v4 =	vadd.f32 v21, v4;
	v24 =	vld [tilespmem:s1+$0x50]  }
0x1d9: {  	v1 =	vadd.f32 v26, v1;
	v20 =	vld [tilespmem:s1+$0x60];
	v0 =	vadd.f32 v27, v0  }
0x1da: {  	s0 =	sadd.s32 $0x4, s0;
	v5 =	vadd.f32 v8, v5;
	v4 =	vadd.f32 v9, v4;
	v21 =	vld [tilespmem:s1+$0x70]  }
0x1db: {  	p0 =	slt.u32 s0, $0xC4;
	v1 =	vadd.f32 v10, v1;
	v8 =	vld [tilespmem:s1+$0xE0];
	v0 =	vadd.f32 v19, v0  }
.Ltmp5:
0x1dc: {  	v5 =	vadd.f32 v18, v5;
	v4 =	vadd.f32 v14, v4;
	v10 =	vld [tilespmem:s1+$0xF0];
	(pc) =	sbr.rel @p0 .LBB2_12-.Ltmp5, $4  }
0x1dd: {  	v1 =	vadd.f32 v15, v1;
	v9 =	vld [tilespmem:s1+$0x160];
	v0 =	vadd.f32 v12, v0  }
0x1de: {  	v16 =	vadd.f32 v23, v16;
	v18 =	vadd.f32 v24, v17;
	v12 =	vld [tilespmem:s1+$0x170]  }
0x1df: {  	v15 =	vadd.f32 v20, v11;
	v14 =	vadd.f32 v21, v13;
	v11 =	vld [tilespmem:s1+$0x1E0]  }
0x1e0: {  	v17 =	vadd.f32 v28, v16;
	v16 =	vadd.f32 v22, v18;
	v13 =	vld [tilespmem:s1+$0x1F0];
	s1 =	sadd.s32 $0x200, s1  }
0x1e1: {  	v18 =	vld [tilespmem:$0xCA00];
	_ =	sdelay $0x1  }
0x1e2: {  	v19 =	vld [tilespmem:$0xCA10];
	_ =	sdelay $0x1  }
0x1e3: {  	v20 =	vld [tilespmem:$0xCA20]  }
0x1e4: {  	v5 =	vmul.f32 v18, v5  }
0x1e5: {  	v50 =	vld [tilespmem:$0xCA30]  }
0x1e6: {  	v4 =	vmul.f32 v19, v4;
	v5 =	vadd.f32 $0.0e+00, v5  }
0x1e7: {  	v51 =	vld [tilespmem:$0xCA40]  }
0x1e8: {  	v7 =	vadd.f32 v7, v17;
	v1 =	vmul.f32 v20, v1;
	v4 =	vadd.f32 v4, v5  }
0x1e9: {  	v52 =	vadd.f32 v8, v15;
	v53 =	vld [tilespmem:$0xCA50];
	v6 =	vadd.f32 v6, v16  }
0x1ea: {  	v3 =	vadd.f32 v3, v7;
	v0 =	vmul.f32 v50, v0;
	v1 =	vadd.f32 v1, v4  }
0x1eb: {  	v54 =	vadd.f32 v10, v14;
	v55 =	vld [tilespmem:$0xCA60];
	v2 =	vadd.f32 v2, v6  }
0x1ec: {  	v56 =	vmul.f32 v51, v3;
	v5 =	vadd.f32 v9, v52;
	v0 =	vadd.f32 v0, v1  }
0x1ed: {  	v58 =	vld [tilespmem:$0xCA70];
	v57 =	vadd.f32 v12, v54  }
0x1ee: {  	v59 =	vmul.f32 v53, v2;
	v5 =	vadd.f32 v11, v5;
	v0 =	vadd.f32 v56, v0;
	_ =	sdelay $0x1  }
0x1ef: {  	v60 =	vadd.f32 v13, v57;
	v61 =	vmul.f32 v55, v5;
	v0 =	vadd.f32 v59, v0;
	_ =	sdelay $0x1  }
0x1f0: {  	v62 =	vmul.f32 v58, v60;
	v0 =	vadd.f32 v61, v0;
	_ =	sdelay $0x1  }
0x1f1: {  	v0 =	vadd.f32 v62, v0;
	_ =	sdelay $0x1  }
0x1f2: {  	(xrf2) =	vadd.scan.msk.f32 $0xffff, v0;
	_ =	sdelay $0x9  }
0x1f3: {  	v0, _, _ =	vpop (xrf2)  }
0x1f4: {  	(v2sf) =	vpush v0, $0xF;
	_ =	sdelay $0xc  }
0x1f5: {  	v63 =	vld [tilespmem:$0xCA80];
	_ =	sdelay $0x1  }
0x1f6: {  	s0 =	spop (v2sf)  }
0x1f7: {  	s0 =	smul.f32 $4.999999890e-03, s0;
	_ =	sdelay $0x1  }
0x1f8: {  	v0 =	vadd.f32 s0, v63;
	_ =	sdelay $0x1  }
0x1f9: {  	v0 =	vsub.f32 $0.0e+00, v0;
	_ =	sdelay $0x1  }
0x1fa: {  	v0 =	vmul.f32 $1.442695020e+00, v0;
	_ =	sdelay $0x1  }
0x1fb: {  	(erf) = vpow2.f32 v0;
	_ =	sdelay $0x8  }
0x1fc: {  	v0 =	vpop (erf)  }
0x1fd: {  	v0 =	vadd.f32 $1.000000000e+00, v0;
	_ =	sdelay $0x1  }
0x1fe: {  	(erf) = vrcp.f32 v0;
	_ =	sdelay $0x7  }
0x1ff: {  	s31 =	sadd.s32 $0x1, s31  }
0x200: {  	p0 =	sne.s32 s31, s9;
	v0 =	vpop (erf)  }
.Ltmp6:
0x201: {  	[tilespmem:$0xCB80] =	vst v0;
	(pc) =	sbr.rel @p0 .LBB2_1-.Ltmp6, $4  }
0x202: {  	[hbm4b:s8+s4] =	stream.linear.scatter [tilespmem:s29], [sflag:$0x4], $0x100, $0x38;
	[tilespmem:$0xCC00] =	vst v63  }
0x203: {  	_ =	swait.ge [sflag:s30], $0x100  }
0x204: {  	[sflag:s30] =	ssyncset.done $0x0  }
0x205: {  	[sflag:s30] =	ssyncadd.s32 $0xFFFFFF00  }
0x206: {  	_ =	sfence.sel $0x180000  }
0x207: {  	[bflag:$0x0] =	sbarrier.arrive $0xFFFF  }
0x208: {  	_ =	strace $0x90000047  }
0x209: {  	s0 =	stileid.u32;
	[bflag:$0x2] =	sbarrier.arrive $0xFFFF  }
0x20a: {  	p0 =	sne.s32 s0, $0x0;
	s0 =	rddreg [dreg:$0x3]  }
0x20b: {  	s0 =	sadd.s32 @!p0 $0x100000, s0  }
0x20c: {  	[sflag:s0] =	ssyncadd.tile.s32 @!p0 $0x1;
	_ =	shalt  }
.Lfunc_end2:
_tile_overlayer_lowered:
.L_overlay_start_2:
0x20d: {  	(tag) =	ssettag $0x2  }
0x20e: {  	s0 =	rddreg [dreg:$0x0];
	s2 =	stileid.u32  }
0x20f: {  	s1 =	rddreg [dreg:$0x1];
	p0 =	sne.s32 s2, $0x0  }
0x210: {  	s3 =	rddreg [dreg:$0x2];
	[bflag:$0x3] =	sbarrier.arrive $0xFFFF;
	s2 =	simm.s32 @!p0 $0x1C04  }
0x211: {  	[timem:s3], [sflag:s2] =	dma.local @!p0 [hbm:s0], s1  }
0x212: {  	s0 =	simm.s32 @!p0 $0x4  }
0x213: {  	_ =	swait.ge @!p0 [sflag:s0], s1  }
0x214: {  	s1 =	ssub.s32 @!p0 $0x0, s1;
	[sflag:s0] =	ssyncset.done @!p0 $0x0  }
0x215: {  	[sflag:s0] =	ssyncadd.s32 @!p0 s1  }
0x216: {  	[bflag:$0x3] =	sbarrier.arrive $0xFFFF  }
0x217: {  	_ =	shalt  }

</sc_bundles>
